<compile_context>
chip_gen: v7x
topology: tpu7x:2x2x1
jax: 0.10.2.dev20260603
libtpu: 0.0.44.dev20260713+nightly
codegen_flags: <defaults>
</compile_context>

<pallas_src>
import functools

import jax
import jax.numpy as jnp
from jax import lax
from jax.experimental import pallas as pl
from jax.experimental.pallas import tpu as pltpu
from jax.experimental.pallas import tpu_sc as plsc

_DIM = 2048
_NE = 64
_NTOK = 16384
_NW = 32
_TPW = _NTOK // _NW
_LANES = 16
_TC_TILE = 1024
_SLABS_PER_STEP = _TC_TILE // _TPW


def _logits_body(x_ref, w_ref, b_ref, out_ref):
    x = x_ref[...]
    w = w_ref[...]
    b = b_ref[...]
    logits = lax.dot_general(w, x, (((1,), (1,)), ((), ())),
                             preferred_element_type=jnp.float32) + b
    for s in range(_SLABS_PER_STEP):
        out_ref[s] = logits[:, s * _TPW:(s + 1) * _TPW]


def _tc_logits(x2, W, b2):
    return pl.pallas_call(
        _logits_body,
        grid=(_NTOK // _TC_TILE,),
        in_specs=[
            pl.BlockSpec((_TC_TILE, _DIM), lambda i: (i, 0)),
            pl.BlockSpec((_NE, _DIM), lambda i: (0, 0)),
            pl.BlockSpec((_NE, 1), lambda i: (0, 0)),
        ],
        out_specs=pl.BlockSpec((_SLABS_PER_STEP, _NE, _TPW), lambda i: (i, 0, 0)),
        out_shape=jax.ShapeDtypeStruct((_NW, _NE, _TPW), jnp.float32),
    )(x2, W, b2)


def _top2_update(v, e, m1, m2, i1, i2):
    gt1 = v > m1
    gt2 = v > m2
    m2 = jnp.where(gt1, m1, jnp.where(gt2, v, m2))
    i2 = jnp.where(gt1, i1, jnp.where(gt2, e, i2))
    m1 = jnp.where(gt1, v, m1)
    i1 = jnp.where(gt1, e, i1)
    return m1, m2, i1, i2


@functools.partial(
    pl.kernel,
    mesh=plsc.VectorSubcoreMesh(core_axis_name="c", subcore_axis_name="s"),
    out_type=[
        jax.ShapeDtypeStruct((2, _NTOK), jnp.int32),
        jax.ShapeDtypeStruct((2, _NTOK), jnp.float32),
    ],
    scratch_types=[
        pltpu.VMEM((_NE, _TPW), jnp.float32),
        pltpu.VMEM((_TPW,), jnp.int32),
        pltpu.VMEM((_TPW,), jnp.int32),
        pltpu.VMEM((_TPW,), jnp.float32),
        pltpu.VMEM((_TPW,), jnp.float32),
        pltpu.SemaphoreType.DMA,
        pltpu.SemaphoreType.DMA,
        pltpu.SemaphoreType.DMA,
        pltpu.SemaphoreType.DMA,
    ],
)
def _sc_route(logits_hbm, idx_hbm, scr_hbm, slab, i1b, i2b, s1b, s2b,
              d0, d1, d2, d3):
    wid = lax.axis_index("s") * 2 + lax.axis_index("c")
    pltpu.sync_copy(logits_hbm.at[wid], slab)

    neg_inf = jnp.full((_LANES,), -jnp.inf, jnp.float32)
    zero_i = jnp.zeros((_LANES,), jnp.int32)

    def chunk(c, carry):
        off = pl.multiple_of(c * _LANES, _LANES)
        a_m1, a_m2, a_i1, a_i2 = neg_inf, neg_inf, zero_i, zero_i
        b_m1, b_m2, b_i1, b_i2 = neg_inf, neg_inf, zero_i, zero_i
        half = _NE // 2
        for e in range(half):
            va = slab[e, pl.ds(off, _LANES)]
            vb = slab[e + half, pl.ds(off, _LANES)]
            a_m1, a_m2, a_i1, a_i2 = _top2_update(va, e, a_m1, a_m2, a_i1, a_i2)
            b_m1, b_m2, b_i1, b_i2 = _top2_update(vb, e + half, b_m1, b_m2,
                                                  b_i1, b_i2)
        m1, m2, i1, i2 = a_m1, a_m2, a_i1, a_i2
        m1, m2, i1, i2 = _top2_update(b_m1, b_i1, m1, m2, i1, i2)
        m1, m2, i1, i2 = _top2_update(b_m2, b_i2, m1, m2, i1, i2)
        s1 = 1.0 / (1.0 + jnp.exp(m2 - m1))
        i1b[pl.ds(off, _LANES)] = i1
        i2b[pl.ds(off, _LANES)] = i2
        s1b[pl.ds(off, _LANES)] = s1
        s2b[pl.ds(off, _LANES)] = 1.0 - s1
        return carry

    lax.fori_loop(0, _TPW // _LANES, chunk, 0)
    base = wid * _TPW
    c0 = pltpu.async_copy(i1b, idx_hbm.at[0, pl.ds(base, _TPW)], d0)
    c1 = pltpu.async_copy(i2b, idx_hbm.at[1, pl.ds(base, _TPW)], d1)
    c2 = pltpu.async_copy(s1b, scr_hbm.at[0, pl.ds(base, _TPW)], d2)
    c3 = pltpu.async_copy(s2b, scr_hbm.at[1, pl.ds(base, _TPW)], d3)
    c0.wait()
    c1.wait()
    c2.wait()
    c3.wait()


def kernel(x, W, b):
    bsz, seq, dim = x.shape
    n_tok = bsz * seq
    x2 = x.reshape(n_tok, dim)
    b2 = b.reshape(_NE, 1)
    logits_t = _tc_logits(x2, W, b2)
    idx_t, scr_t = _sc_route(logits_t)
    idx = idx_t.T.reshape(bsz, seq, 2)
    scr = scr_t.T.reshape(bsz, seq, 2)
    return (idx, scr)

# --- scband reference (transcript-rebuilt; emitter-appended) ---
"""Pipeline reference for scband-gating-network-23665269801378 (READ-ONLY COPY).

The authoritative reference and input builder live on the scoring server;
editing this copy changes nothing except your own understanding.
"""

import jax, jax.numpy as jnp
import numpy as np

DIM_MODEL = 2048
NUM_EXPERTS = 64
TOP_K = 2

def setup_inputs(seed: int = 0) -> dict:
    key = jax.random.key(seed)
    k_x, k_w, k_b = jax.random.split(key, 3)
    x = jax.random.normal(k_x, (4, 4096, DIM_MODEL), dtype=jnp.float32)
    # nn.Linear(dim_model, num_experts): weight [num_experts, dim_model], bias [num_experts]
    bound = 1.0 / np.sqrt(DIM_MODEL)
    W = jax.random.uniform(k_w, (NUM_EXPERTS, DIM_MODEL), dtype=jnp.float32, minval=-bound, maxval=bound)
    b = jax.random.uniform(k_b, (NUM_EXPERTS,), dtype=jnp.float32, minval=-bound, maxval=bound)
    return {"x": x, "W": W, "b": b}

def reference(x, W, b):
    # logits = self.gate(x)
    logits = jnp.einsum('bsd,ed->bse', x, W) + b
    # top_k over last dim
    top_k_values, top_k_indices = jax.lax.top_k(logits, TOP_K)
    # softmax over the top-k values
    top_k_scores = jax.nn.softmax(top_k_values, axis=-1)
    return (top_k_indices, top_k_scores)

if __name__ == "__main__":
    import jax
    _d = setup_inputs()
    print(jax.jit(kernel)(*tuple(_d.values())))

</pallas_src>

<mosaic_0001>
#map = affine_map<(d0, d1) -> (0, 0, 0)>
#map1 = affine_map<(d0, d1) -> (0, 0)>
module attributes {stable_mosaic.version = 14 : i64} {
  func.func @_sc_route(%arg0: i32, %arg1: i32, %arg2: memref<32x64x512xf32, #tpu.memory_space<hbm>>, %arg3: memref<2x16384xi32, #tpu.memory_space<hbm>>, %arg4: memref<2x16384xf32, #tpu.memory_space<hbm>>, %arg5: memref<64x512xf32, #tpu.memory_space<vmem>>, %arg6: memref<512xi32, #tpu.memory_space<vmem>>, %arg7: memref<512xi32, #tpu.memory_space<vmem>>, %arg8: memref<512xf32, #tpu.memory_space<vmem>>, %arg9: memref<512xf32, #tpu.memory_space<vmem>>, %arg10: memref<!tpu.dma_semaphore, #tpu.memory_space<semaphore_mem>>, %arg11: memref<!tpu.dma_semaphore, #tpu.memory_space<semaphore_mem>>, %arg12: memref<!tpu.dma_semaphore, #tpu.memory_space<semaphore_mem>>, %arg13: memref<!tpu.dma_semaphore, #tpu.memory_space<semaphore_mem>>) attributes {dimension_semantics = [#tpu.dimension_semantics<core_parallel>, #tpu.dimension_semantics<subcore_parallel>], iteration_bounds = array<i64: 2, 16>, scalar_prefetch = 0 : i64, scratch_operands = 9 : i64, tpu.core_type = #tpu.core_type<sc_vector_subcore>, window_params = [{transform_indices = #map}, {transform_indices = #map1}, {transform_indices = #map1}]} {
    %mul3A = arith.constant 2 : i32
    %mul3A_0 = arith.muli %arg1, %mul3A : i32
    %add3A = arith.addi %mul3A_0, %arg0 : i32
    "tpu.region"() ({
      %run_scoped3A = tpu.sem_alloc : memref<!tpu.dma_semaphore, #tpu.memory_space<semaphore_mem>>
      %dma_start3A_49 = arith.constant 0 : i32
      %dma_start3A_50 = arith.constant 0 : i32
      %dma_start3A_51 = tpu.memref_slice %arg2[%add3A, %dma_start3A_49, %dma_start3A_50] : memref<32x64x512xf32, #tpu.memory_space<hbm>> -> memref<1x64x512xf32, #tpu.memory_space<hbm>>
      %dma_start3A_52 = tpu.memref_squeeze %dma_start3A_51 : memref<1x64x512xf32, #tpu.memory_space<hbm>> -> memref<64x512xf32, #tpu.memory_space<hbm>>
      %dma_start3A_53 = arith.constant 0 : i32
      %dma_start3A_54 = arith.constant 0 : i32
      %dma_start3A_55 = tpu.memref_slice %arg2[%add3A, %dma_start3A_53, %dma_start3A_54] : memref<32x64x512xf32, #tpu.memory_space<hbm>> -> memref<1x64x512xf32, #tpu.memory_space<hbm>>
      %dma_start3A_56 = tpu.memref_squeeze %dma_start3A_55 : memref<1x64x512xf32, #tpu.memory_space<hbm>> -> memref<64x512xf32, #tpu.memory_space<hbm>>
      tpu.enqueue_dma source(%dma_start3A_56 : memref<64x512xf32, #tpu.memory_space<hbm>>) target(%arg5 : memref<64x512xf32, #tpu.memory_space<vmem>>) target_semaphore(%run_scoped3A : memref<!tpu.dma_semaphore, #tpu.memory_space<semaphore_mem>>)
      %dma_wait3A_57 = arith.constant 0 : i32
      %dma_wait3A_58 = arith.constant 0 : i32
      %dma_wait3A_59 = tpu.memref_slice %arg2[%add3A, %dma_wait3A_57, %dma_wait3A_58] : memref<32x64x512xf32, #tpu.memory_space<hbm>> -> memref<1x64x512xf32, #tpu.memory_space<hbm>>
      %dma_wait3A_60 = tpu.memref_squeeze %dma_wait3A_59 : memref<1x64x512xf32, #tpu.memory_space<hbm>> -> memref<64x512xf32, #tpu.memory_space<hbm>>
      %dma_wait3A_61 = arith.constant 0 : i32
      %dma_wait3A_62 = arith.constant 0 : i32
      %dma_wait3A_63 = tpu.memref_slice %arg2[%add3A, %dma_wait3A_61, %dma_wait3A_62] : memref<32x64x512xf32, #tpu.memory_space<hbm>> -> memref<1x64x512xf32, #tpu.memory_space<hbm>>
      %dma_wait3A_64 = tpu.memref_squeeze %dma_wait3A_63 : memref<1x64x512xf32, #tpu.memory_space<hbm>> -> memref<64x512xf32, #tpu.memory_space<hbm>>
      tpu.wait_dma2 semaphore(%run_scoped3A : memref<!tpu.dma_semaphore, #tpu.memory_space<semaphore_mem>>) src(%dma_wait3A_64 : memref<64x512xf32, #tpu.memory_space<hbm>>) dst(%arg5 : memref<64x512xf32, #tpu.memory_space<vmem>>)
      tpu.yield
    }) : () -> ()
    %broadcast_in_dim3A = arith.constant 0xFF800000 : f32
    %broadcast_in_dim3A_1 = vector.broadcast %broadcast_in_dim3A : f32 to vector<16xf32>
    %broadcast_in_dim3A_2 = arith.constant 0 : i32
    %broadcast_in_dim3A_3 = vector.broadcast %broadcast_in_dim3A_2 : i32 to vector<16xi32>
    %scan3A = arith.constant 0 : i32
    %scan3A_4 = arith.constant 0 : i32
    %scan3A_5 = arith.constant 32 : i32
    %scan3A_6 = arith.addi %scan3A_4, %scan3A_5 : i32
    %scan3A_7 = arith.constant 1 : i32
    scf.for %scan3A_49 = %scan3A_4 to %scan3A_6 step %scan3A_7  : i32 {
      %mul3A_50 = arith.constant 16 : i32
      %mul3A_51 = arith.muli %scan3A_49, %mul3A_50 : i32
      %multiple_of3A = tpu.assume_multiple %mul3A_51, 16 : i32
      %get3A = arith.constant 0 : i32
      %get3A_52 = arith.index_cast %get3A : i32 to index
      %get3A_53 = arith.index_cast %multiple_of3A : i32 to index
      %get3A_54 = tpu.vector_load %arg5[%get3A_52, %get3A_53] {strides = array<i32>} : memref<64x512xf32, #tpu.memory_space<vmem>>, vector<1x16xf32>,
      %get3A_55 = vector.shape_cast %get3A_54 : vector<1x16xf32> to vector<16xf32>
      %get3A_56 = arith.constant 32 : i32
      %get3A_57 = arith.index_cast %get3A_56 : i32 to index
      %get3A_58 = arith.index_cast %multiple_of3A : i32 to index
      %get3A_59 = tpu.vector_load %arg5[%get3A_57, %get3A_58] {strides = array<i32>} : memref<64x512xf32, #tpu.memory_space<vmem>>, vector<1x16xf32>,
      %get3A_60 = vector.shape_cast %get3A_59 : vector<1x16xf32> to vector<16xf32>
      %gt3A = arith.cmpf ogt, %get3A_55, %broadcast_in_dim3A_1 : vector<16xf32>
      %gt3A_61 = arith.cmpf ogt, %get3A_55, %broadcast_in_dim3A_1 : vector<16xf32>
      %select_n3A = arith.select %gt3A_61, %get3A_55, %broadcast_in_dim3A_1 : vector<16xi1>, vector<16xf32>
      %select_n3A_62 = arith.select %gt3A, %broadcast_in_dim3A_1, %select_n3A : vector<16xi1>, vector<16xf32>
      %jit3A = arith.constant 0 : i32
      %broadcast_in_dim3A_63 = vector.broadcast %jit3A : i32 to vector<16xi32>
      %select_n3A_64 = arith.select %gt3A_61, %broadcast_in_dim3A_63, %broadcast_in_dim3A_3 : vector<16xi1>, vector<16xi32>
      %select_n3A_65 = arith.select %gt3A, %broadcast_in_dim3A_3, %select_n3A_64 : vector<16xi1>, vector<16xi32>
      %select_n3A_66 = arith.select %gt3A, %get3A_55, %broadcast_in_dim3A_1 : vector<16xi1>, vector<16xf32>
      %jit3A_67 = arith.constant 0 : i32
      %broadcast_in_dim3A_68 = vector.broadcast %jit3A_67 : i32 to vector<16xi32>
      %select_n3A_69 = arith.select %gt3A, %broadcast_in_dim3A_68, %broadcast_in_dim3A_3 : vector<16xi1>, vector<16xi32>
      %gt3A_70 = arith.cmpf ogt, %get3A_60, %broadcast_in_dim3A_1 : vector<16xf32>
      %gt3A_71 = arith.cmpf ogt, %get3A_60, %broadcast_in_dim3A_1 : vector<16xf32>
      %select_n3A_72 = arith.select %gt3A_71, %get3A_60, %broadcast_in_dim3A_1 : vector<16xi1>, vector<16xf32>
      %select_n3A_73 = arith.select %gt3A_70, %broadcast_in_dim3A_1, %select_n3A_72 : vector<16xi1>, vector<16xf32>
      %jit3A_74 = arith.constant 32 : i32
      %broadcast_in_dim3A_75 = vector.broadcast %jit3A_74 : i32 to vector<16xi32>
      %select_n3A_76 = arith.select %gt3A_71, %broadcast_in_dim3A_75, %broadcast_in_dim3A_3 : vector<16xi1>, vector<16xi32>
      %select_n3A_77 = arith.select %gt3A_70, %broadcast_in_dim3A_3, %select_n3A_76 : vector<16xi1>, vector<16xi32>
      %select_n3A_78 = arith.select %gt3A_70, %get3A_60, %broadcast_in_dim3A_1 : vector<16xi1>, vector<16xf32>
      %jit3A_79 = arith.constant 32 : i32
      %broadcast_in_dim3A_80 = vector.broadcast %jit3A_79 : i32 to vector<16xi32>
      %select_n3A_81 = arith.select %gt3A_70, %broadcast_in_dim3A_80, %broadcast_in_dim3A_3 : vector<16xi1>, vector<16xi32>
      %get3A_82 = arith.constant 1 : i32
      %get3A_83 = arith.index_cast %get3A_82 : i32 to index
      %get3A_84 = arith.index_cast %multiple_of3A : i32 to index
      %get3A_85 = tpu.vector_load %arg5[%get3A_83, %get3A_84] {strides = array<i32>} : memref<64x512xf32, #tpu.memory_space<vmem>>, vector<1x16xf32>,
      %get3A_86 = vector.shape_cast %get3A_85 : vector<1x16xf32> to vector<16xf32>
      %get3A_87 = arith.constant 33 : i32
      %get3A_88 = arith.index_cast %get3A_87 : i32 to index
      %get3A_89 = arith.index_cast %multiple_of3A : i32 to index
      %get3A_90 = tpu.vector_load %arg5[%get3A_88, %get3A_89] {strides = array<i32>} : memref<64x512xf32, #tpu.memory_space<vmem>>, vector<1x16xf32>,
      %get3A_91 = vector.shape_cast %get3A_90 : vector<1x16xf32> to vector<16xf32>
      %gt3A_92 = arith.cmpf ogt, %get3A_86, %select_n3A_66 : vector<16xf32>
      %gt3A_93 = arith.cmpf ogt, %get3A_86, %select_n3A_62 : vector<16xf32>
      %select_n3A_94 = arith.select %gt3A_93, %get3A_86, %select_n3A_62 : vector<16xi1>, vector<16xf32>
      %select_n3A_95 = arith.select %gt3A_92, %select_n3A_66, %select_n3A_94 : vector<16xi1>, vector<16xf32>
      %jit3A_96 = arith.constant 1 : i32
      %broadcast_in_dim3A_97 = vector.broadcast %jit3A_96 : i32 to vector<16xi32>
      %select_n3A_98 = arith.select %gt3A_93, %broadcast_in_dim3A_97, %select_n3A_65 : vector<16xi1>, vector<16xi32>
      %select_n3A_99 = arith.select %gt3A_92, %select_n3A_69, %select_n3A_98 : vector<16xi1>, vector<16xi32>
      %select_n3A_100 = arith.select %gt3A_92, %get3A_86, %select_n3A_66 : vector<16xi1>, vector<16xf32>
      %jit3A_101 = arith.constant 1 : i32
      %broadcast_in_dim3A_102 = vector.broadcast %jit3A_101 : i32 to vector<16xi32>
      %select_n3A_103 = arith.select %gt3A_92, %broadcast_in_dim3A_102, %select_n3A_69 : vector<16xi1>, vector<16xi32>
      %gt3A_104 = arith.cmpf ogt, %get3A_91, %select_n3A_78 : vector<16xf32>
      %gt3A_105 = arith.cmpf ogt, %get3A_91, %select_n3A_73 : vector<16xf32>
      %select_n3A_106 = arith.select %gt3A_105, %get3A_91, %select_n3A_73 : vector<16xi1>, vector<16xf32>
      %select_n3A_107 = arith.select %gt3A_104, %select_n3A_78, %select_n3A_106 : vector<16xi1>, vector<16xf32>
      %jit3A_108 = arith.constant 33 : i32
      %broadcast_in_dim3A_109 = vector.broadcast %jit3A_108 : i32 to vector<16xi32>
      %select_n3A_110 = arith.select %gt3A_105, %broadcast_in_dim3A_109, %select_n3A_77 : vector<16xi1>, vector<16xi32>
      %select_n3A_111 = arith.select %gt3A_104, %select_n3A_81, %select_n3A_110 : vector<16xi1>, vector<16xi32>
      %select_n3A_112 = arith.select %gt3A_104, %get3A_91, %select_n3A_78 : vector<16xi1>, vector<16xf32>
      %jit3A_113 = arith.constant 33 : i32
      %broadcast_in_dim3A_114 = vector.broadcast %jit3A_113 : i32 to vector<16xi32>
      %select_n3A_115 = arith.select %gt3A_104, %broadcast_in_dim3A_114, %select_n3A_81 : vector<16xi1>, vector<16xi32>
      %get3A_116 = arith.constant 2 : i32
      %get3A_117 = arith.index_cast %get3A_116 : i32 to index
      %get3A_118 = arith.index_cast %multiple_of3A : i32 to index
      %get3A_119 = tpu.vector_load %arg5[%get3A_117, %get3A_118] {strides = array<i32>} : memref<64x512xf32, #tpu.memory_space<vmem>>, vector<1x16xf32>,
      %get3A_120 = vector.shape_cast %get3A_119 : vector<1x16xf32> to vector<16xf32>
      %get3A_121 = arith.constant 34 : i32
      %get3A_122 = arith.index_cast %get3A_121 : i32 to index
      %get3A_123 = arith.index_cast %multiple_of3A : i32 to index
      %get3A_124 = tpu.vector_load %arg5[%get3A_122, %get3A_123] {strides = array<i32>} : memref<64x512xf32, #tpu.memory_space<vmem>>, vector<1x16xf32>,
      %get3A_125 = vector.shape_cast %get3A_124 : vector<1x16xf32> to vector<16xf32>
      %gt3A_126 = arith.cmpf ogt, %get3A_120, %select_n3A_100 : vector<16xf32>
      %gt3A_127 = arith.cmpf ogt, %get3A_120, %select_n3A_95 : vector<16xf32>
      %select_n3A_128 = arith.select %gt3A_127, %get3A_120, %select_n3A_95 : vector<16xi1>, vector<16xf32>
      %select_n3A_129 = arith.select %gt3A_126, %select_n3A_100, %select_n3A_128 : vector<16xi1>, vector<16xf32>
      %jit3A_130 = arith.constant 2 : i32
      %broadcast_in_dim3A_131 = vector.broadcast %jit3A_130 : i32 to vector<16xi32>
      %select_n3A_132 = arith.select %gt3A_127, %broadcast_in_dim3A_131, %select_n3A_99 : vector<16xi1>, vector<16xi32>
      %select_n3A_133 = arith.select %gt3A_126, %select_n3A_103, %select_n3A_132 : vector<16xi1>, vector<16xi32>
      %select_n3A_134 = arith.select %gt3A_126, %get3A_120, %select_n3A_100 : vector<16xi1>, vector<16xf32>
      %jit3A_135 = arith.constant 2 : i32
      %broadcast_in_dim3A_136 = vector.broadcast %jit3A_135 : i32 to vector<16xi32>
      %select_n3A_137 = arith.select %gt3A_126, %broadcast_in_dim3A_136, %select_n3A_103 : vector<16xi1>, vector<16xi32>
      %gt3A_138 = arith.cmpf ogt, %get3A_125, %select_n3A_112 : vector<16xf32>
      %gt3A_139 = arith.cmpf ogt, %get3A_125, %select_n3A_107 : vector<16xf32>
      %select_n3A_140 = arith.select %gt3A_139, %get3A_125, %select_n3A_107 : vector<16xi1>, vector<16xf32>
      %select_n3A_141 = arith.select %gt3A_138, %select_n3A_112, %select_n3A_140 : vector<16xi1>, vector<16xf32>
      %jit3A_142 = arith.constant 34 : i32
      %broadcast_in_dim3A_143 = vector.broadcast %jit3A_142 : i32 to vector<16xi32>
      %select_n3A_144 = arith.select %gt3A_139, %broadcast_in_dim3A_143, %select_n3A_111 : vector<16xi1>, vector<16xi32>
      %select_n3A_145 = arith.select %gt3A_138, %select_n3A_115, %select_n3A_144 : vector<16xi1>, vector<16xi32>
      %select_n3A_146 = arith.select %gt3A_138, %get3A_125, %select_n3A_112 : vector<16xi1>, vector<16xf32>
      %jit3A_147 = arith.constant 34 : i32
      %broadcast_in_dim3A_148 = vector.broadcast %jit3A_147 : i32 to vector<16xi32>
      %select_n3A_149 = arith.select %gt3A_138, %broadcast_in_dim3A_148, %select_n3A_115 : vector<16xi1>, vector<16xi32>
      %get3A_150 = arith.constant 3 : i32
      %get3A_151 = arith.index_cast %get3A_150 : i32 to index
      %get3A_152 = arith.index_cast %multiple_of3A : i32 to index
      %get3A_153 = tpu.vector_load %arg5[%get3A_151, %get3A_152] {strides = array<i32>} : memref<64x512xf32, #tpu.memory_space<vmem>>, vector<1x16xf32>,
      %get3A_154 = vector.shape_cast %get3A_153 : vector<1x16xf32> to vector<16xf32>
      %get3A_155 = arith.constant 35 : i32
      %get3A_156 = arith.index_cast %get3A_155 : i32 to index
      %get3A_157 = arith.index_cast %multiple_of3A : i32 to index
      %get3A_158 = tpu.vector_load %arg5[%get3A_156, %get3A_157] {strides = array<i32>} : memref<64x512xf32, #tpu.memory_space<vmem>>, vector<1x16xf32>,
      %get3A_159 = vector.shape_cast %get3A_158 : vector<1x16xf32> to vector<16xf32>
      %gt3A_160 = arith.cmpf ogt, %get3A_154, %select_n3A_134 : vector<16xf32>
      %gt3A_161 = arith.cmpf ogt, %get3A_154, %select_n3A_129 : vector<16xf32>
      %select_n3A_162 = arith.select %gt3A_161, %get3A_154, %select_n3A_129 : vector<16xi1>, vector<16xf32>
      %select_n3A_163 = arith.select %gt3A_160, %select_n3A_134, %select_n3A_162 : vector<16xi1>, vector<16xf32>
      %jit3A_164 = arith.constant 3 : i32
      %broadcast_in_dim3A_165 = vector.broadcast %jit3A_164 : i32 to vector<16xi32>
      %select_n3A_166 = arith.select %gt3A_161, %broadcast_in_dim3A_165, %select_n3A_133 : vector<16xi1>, vector<16xi32>
      %select_n3A_167 = arith.select %gt3A_160, %select_n3A_137, %select_n3A_166 : vector<16xi1>, vector<16xi32>
      %select_n3A_168 = arith.select %gt3A_160, %get3A_154, %select_n3A_134 : vector<16xi1>, vector<16xf32>
      %jit3A_169 = arith.constant 3 : i32
      %broadcast_in_dim3A_170 = vector.broadcast %jit3A_169 : i32 to vector<16xi32>
      %select_n3A_171 = arith.select %gt3A_160, %broadcast_in_dim3A_170, %select_n3A_137 : vector<16xi1>, vector<16xi32>
      %gt3A_172 = arith.cmpf ogt, %get3A_159, %select_n3A_146 : vector<16xf32>
      %gt3A_173 = arith.cmpf ogt, %get3A_159, %select_n3A_141 : vector<16xf32>
      %select_n3A_174 = arith.select %gt3A_173, %get3A_159, %select_n3A_141 : vector<16xi1>, vector<16xf32>
      %select_n3A_175 = arith.select %gt3A_172, %select_n3A_146, %select_n3A_174 : vector<16xi1>, vector<16xf32>
      %jit3A_176 = arith.constant 35 : i32
      %broadcast_in_dim3A_177 = vector.broadcast %jit3A_176 : i32 to vector<16xi32>
      %select_n3A_178 = arith.select %gt3A_173, %broadcast_in_dim3A_177, %select_n3A_145 : vector<16xi1>, vector<16xi32>
      %select_n3A_179 = arith.select %gt3A_172, %select_n3A_149, %select_n3A_178 : vector<16xi1>, vector<16xi32>
      %select_n3A_180 = arith.select %gt3A_172, %get3A_159, %select_n3A_146 : vector<16xi1>, vector<16xf32>
      %jit3A_181 = arith.constant 35 : i32
      %broadcast_in_dim3A_182 = vector.broadcast %jit3A_181 : i32 to vector<16xi32>
      %select_n3A_183 = arith.select %gt3A_172, %broadcast_in_dim3A_182, %select_n3A_149 : vector<16xi1>, vector<16xi32>
      %get3A_184 = arith.constant 4 : i32
      %get3A_185 = arith.index_cast %get3A_184 : i32 to index
      %get3A_186 = arith.index_cast %multiple_of3A : i32 to index
      %get3A_187 = tpu.vector_load %arg5[%get3A_185, %get3A_186] {strides = array<i32>} : memref<64x512xf32, #tpu.memory_space<vmem>>, vector<1x16xf32>,
      %get3A_188 = vector.shape_cast %get3A_187 : vector<1x16xf32> to vector<16xf32>
      %get3A_189 = arith.constant 36 : i32
      %get3A_190 = arith.index_cast %get3A_189 : i32 to index
      %get3A_191 = arith.index_cast %multiple_of3A : i32 to index
      %get3A_192 = tpu.vector_load %arg5[%get3A_190, %get3A_191] {strides = array<i32>} : memref<64x512xf32, #tpu.memory_space<vmem>>, vector<1x16xf32>,
      %get3A_193 = vector.shape_cast %get3A_192 : vector<1x16xf32> to vector<16xf32>
      %gt3A_194 = arith.cmpf ogt, %get3A_188, %select_n3A_168 : vector<16xf32>
      %gt3A_195 = arith.cmpf ogt, %get3A_188, %select_n3A_163 : vector<16xf32>
      %select_n3A_196 = arith.select %gt3A_195, %get3A_188, %select_n3A_163 : vector<16xi1>, vector<16xf32>
      %select_n3A_197 = arith.select %gt3A_194, %select_n3A_168, %select_n3A_196 : vector<16xi1>, vector<16xf32>
      %jit3A_198 = arith.constant 4 : i32
      %broadcast_in_dim3A_199 = vector.broadcast %jit3A_198 : i32 to vector<16xi32>
      %select_n3A_200 = arith.select %gt3A_195, %broadcast_in_dim3A_199, %select_n3A_167 : vector<16xi1>, vector<16xi32>
      %select_n3A_201 = arith.select %gt3A_194, %select_n3A_171, %select_n3A_200 : vector<16xi1>, vector<16xi32>
      %select_n3A_202 = arith.select %gt3A_194, %get3A_188, %select_n3A_168 : vector<16xi1>, vector<16xf32>
      %jit3A_203 = arith.constant 4 : i32
      %broadcast_in_dim3A_204 = vector.broadcast %jit3A_203 : i32 to vector<16xi32>
      %select_n3A_205 = arith.select %gt3A_194, %broadcast_in_dim3A_204, %select_n3A_171 : vector<16xi1>, vector<16xi32>
      %gt3A_206 = arith.cmpf ogt, %get3A_193, %select_n3A_180 : vector<16xf32>
      %gt3A_207 = arith.cmpf ogt, %get3A_193, %select_n3A_175 : vector<16xf32>
      %select_n3A_208 = arith.select %gt3A_207, %get3A_193, %select_n3A_175 : vector<16xi1>, vector<16xf32>
      %select_n3A_209 = arith.select %gt3A_206, %select_n3A_180, %select_n3A_208 : vector<16xi1>, vector<16xf32>
      %jit3A_210 = arith.constant 36 : i32
      %broadcast_in_dim3A_211 = vector.broadcast %jit3A_210 : i32 to vector<16xi32>
      %select_n3A_212 = arith.select %gt3A_207, %broadcast_in_dim3A_211, %select_n3A_179 : vector<16xi1>, vector<16xi32>
      %select_n3A_213 = arith.select %gt3A_206, %select_n3A_183, %select_n3A_212 : vector<16xi1>, vector<16xi32>
      %select_n3A_214 = arith.select %gt3A_206, %get3A_193, %select_n3A_180 : vector<16xi1>, vector<16xf32>
      %jit3A_215 = arith.constant 36 : i32
      %broadcast_in_dim3A_216 = vector.broadcast %jit3A_215 : i32 to vector<16xi32>
      %select_n3A_217 = arith.select %gt3A_206, %broadcast_in_dim3A_216, %select_n3A_183 : vector<16xi1>, vector<16xi32>
      %get3A_218 = arith.constant 5 : i32
      %get3A_219 = arith.index_cast %get3A_218 : i32 to index
      %get3A_220 = arith.index_cast %multiple_of3A : i32 to index
      %get3A_221 = tpu.vector_load %arg5[%get3A_219, %get3A_220] {strides = array<i32>} : memref<64x512xf32, #tpu.memory_space<vmem>>, vector<1x16xf32>,
      %get3A_222 = vector.shape_cast %get3A_221 : vector<1x16xf32> to vector<16xf32>
      %get3A_223 = arith.constant 37 : i32
      %get3A_224 = arith.index_cast %get3A_223 : i32 to index
      %get3A_225 = arith.index_cast %multiple_of3A : i32 to index
      %get3A_226 = tpu.vector_load %arg5[%get3A_224, %get3A_225] {strides = array<i32>} : memref<64x512xf32, #tpu.memory_space<vmem>>, vector<1x16xf32>,
      %get3A_227 = vector.shape_cast %get3A_226 : vector<1x16xf32> to vector<16xf32>
      %gt3A_228 = arith.cmpf ogt, %get3A_222, %select_n3A_202 : vector<16xf32>
      %gt3A_229 = arith.cmpf ogt, %get3A_222, %select_n3A_197 : vector<16xf32>
      %select_n3A_230 = arith.select %gt3A_229, %get3A_222, %select_n3A_197 : vector<16xi1>, vector<16xf32>
      %select_n3A_231 = arith.select %gt3A_228, %select_n3A_202, %select_n3A_230 : vector<16xi1>, vector<16xf32>
      %jit3A_232 = arith.constant 5 : i32
      %broadcast_in_dim3A_233 = vector.broadcast %jit3A_232 : i32 to vector<16xi32>
      %select_n3A_234 = arith.select %gt3A_229, %broadcast_in_dim3A_233, %select_n3A_201 : vector<16xi1>, vector<16xi32>
      %select_n3A_235 = arith.select %gt3A_228, %select_n3A_205, %select_n3A_234 : vector<16xi1>, vector<16xi32>
      %select_n3A_236 = arith.select %gt3A_228, %get3A_222, %select_n3A_202 : vector<16xi1>, vector<16xf32>
      %jit3A_237 = arith.constant 5 : i32
      %broadcast_in_dim3A_238 = vector.broadcast %jit3A_237 : i32 to vector<16xi32>
      %select_n3A_239 = arith.select %gt3A_228, %broadcast_in_dim3A_238, %select_n3A_205 : vector<16xi1>, vector<16xi32>
      %gt3A_240 = arith.cmpf ogt, %get3A_227, %select_n3A_214 : vector<16xf32>
      %gt3A_241 = arith.cmpf ogt, %get3A_227, %select_n3A_209 : vector<16xf32>
      %select_n3A_242 = arith.select %gt3A_241, %get3A_227, %select_n3A_209 : vector<16xi1>, vector<16xf32>
      %select_n3A_243 = arith.select %gt3A_240, %select_n3A_214, %select_n3A_242 : vector<16xi1>, vector<16xf32>
      %jit3A_244 = arith.constant 37 : i32
      %broadcast_in_dim3A_245 = vector.broadcast %jit3A_244 : i32 to vector<16xi32>
      %select_n3A_246 = arith.select %gt3A_241, %broadcast_in_dim3A_245, %select_n3A_213 : vector<16xi1>, vector<16xi32>
      %select_n3A_247 = arith.select %gt3A_240, %select_n3A_217, %select_n3A_246 : vector<16xi1>, vector<16xi32>
      %select_n3A_248 = arith.select %gt3A_240, %get3A_227, %select_n3A_214 : vector<16xi1>, vector<16xf32>
      %jit3A_249 = arith.constant 37 : i32
      %broadcast_in_dim3A_250 = vector.broadcast %jit3A_249 : i32 to vector<16xi32>
      %select_n3A_251 = arith.select %gt3A_240, %broadcast_in_dim3A_250, %select_n3A_217 : vector<16xi1>, vector<16xi32>
      %get3A_252 = arith.constant 6 : i32
      %get3A_253 = arith.index_cast %get3A_252 : i32 to index
      %get3A_254 = arith.index_cast %multiple_of3A : i32 to index
      %get3A_255 = tpu.vector_load %arg5[%get3A_253, %get3A_254] {strides = array<i32>} : memref<64x512xf32, #tpu.memory_space<vmem>>, vector<1x16xf32>,
      %get3A_256 = vector.shape_cast %get3A_255 : vector<1x16xf32> to vector<16xf32>
      %get3A_257 = arith.constant 38 : i32
      %get3A_258 = arith.index_cast %get3A_257 : i32 to index
      %get3A_259 = arith.index_cast %multiple_of3A : i32 to index
      %get3A_260 = tpu.vector_load %arg5[%get3A_258, %get3A_259] {strides = array<i32>} : memref<64x512xf32, #tpu.memory_space<vmem>>, vector<1x16xf32>,
      %get3A_261 = vector.shape_cast %get3A_260 : vector<1x16xf32> to vector<16xf32>
      %gt3A_262 = arith.cmpf ogt, %get3A_256, %select_n3A_236 : vector<16xf32>
      %gt3A_263 = arith.cmpf ogt, %get3A_256, %select_n3A_231 : vector<16xf32>
      %select_n3A_264 = arith.select %gt3A_263, %get3A_256, %select_n3A_231 : vector<16xi1>, vector<16xf32>
      %select_n3A_265 = arith.select %gt3A_262, %select_n3A_236, %select_n3A_264 : vector<16xi1>, vector<16xf32>
      %jit3A_266 = arith.constant 6 : i32
      %broadcast_in_dim3A_267 = vector.broadcast %jit3A_266 : i32 to vector<16xi32>
      %select_n3A_268 = arith.select %gt3A_263, %broadcast_in_dim3A_267, %select_n3A_235 : vector<16xi1>, vector<16xi32>
      %select_n3A_269 = arith.select %gt3A_262, %select_n3A_239, %select_n3A_268 : vector<16xi1>, vector<16xi32>
      %select_n3A_270 = arith.select %gt3A_262, %get3A_256, %select_n3A_236 : vector<16xi1>, vector<16xf32>
      %jit3A_271 = arith.constant 6 : i32
      %broadcast_in_dim3A_272 = vector.broadcast %jit3A_271 : i32 to vector<16xi32>
      %select_n3A_273 = arith.select %gt3A_262, %broadcast_in_dim3A_272, %select_n3A_239 : vector<16xi1>, vector<16xi32>
      %gt3A_274 = arith.cmpf ogt, %get3A_261, %select_n3A_248 : vector<16xf32>
      %gt3A_275 = arith.cmpf ogt, %get3A_261, %select_n3A_243 : vector<16xf32>
      %select_n3A_276 = arith.select %gt3A_275, %get3A_261, %select_n3A_243 : vector<16xi1>, vector<16xf32>
      %select_n3A_277 = arith.select %gt3A_274, %select_n3A_248, %select_n3A_276 : vector<16xi1>, vector<16xf32>
      %jit3A_278 = arith.constant 38 : i32
      %broadcast_in_dim3A_279 = vector.broadcast %jit3A_278 : i32 to vector<16xi32>
      %select_n3A_280 = arith.select %gt3A_275, %broadcast_in_dim3A_279, %select_n3A_247 : vector<16xi1>, vector<16xi32>
      %select_n3A_281 = arith.select %gt3A_274, %select_n3A_251, %select_n3A_280 : vector<16xi1>, vector<16xi32>
      %select_n3A_282 = arith.select %gt3A_274, %get3A_261, %select_n3A_248 : vector<16xi1>, vector<16xf32>
      %jit3A_283 = arith.constant 38 : i32
      %broadcast_in_dim3A_284 = vector.broadcast %jit3A_283 : i32 to vector<16xi32>
      %select_n3A_285 = arith.select %gt3A_274, %broadcast_in_dim3A_284, %select_n3A_251 : vector<16xi1>, vector<16xi32>
      %get3A_286 = arith.constant 7 : i32
      %get3A_287 = arith.index_cast %get3A_286 : i32 to index
      %get3A_288 = arith.index_cast %multiple_of3A : i32 to index
      %get3A_289 = tpu.vector_load %arg5[%get3A_287, %get3A_288] {strides = array<i32>} : memref<64x512xf32, #tpu.memory_space<vmem>>, vector<1x16xf32>,
      %get3A_290 = vector.shape_cast %get3A_289 : vector<1x16xf32> to vector<16xf32>
      %get3A_291 = arith.constant 39 : i32
      %get3A_292 = arith.index_cast %get3A_291 : i32 to index
      %get3A_293 = arith.index_cast %multiple_of3A : i32 to index
      %get3A_294 = tpu.vector_load %arg5[%get3A_292, %get3A_293] {strides = array<i32>} : memref<64x512xf32, #tpu.memory_space<vmem>>, vector<1x16xf32>,
      %get3A_295 = vector.shape_cast %get3A_294 : vector<1x16xf32> to vector<16xf32>
      %gt3A_296 = arith.cmpf ogt, %get3A_290, %select_n3A_270 : vector<16xf32>
      %gt3A_297 = arith.cmpf ogt, %get3A_290, %select_n3A_265 : vector<16xf32>
      %select_n3A_298 = arith.select %gt3A_297, %get3A_290, %select_n3A_265 : vector<16xi1>, vector<16xf32>
      %select_n3A_299 = arith.select %gt3A_296, %select_n3A_270, %select_n3A_298 : vector<16xi1>, vector<16xf32>
      %jit3A_300 = arith.constant 7 : i32
      %broadcast_in_dim3A_301 = vector.broadcast %jit3A_300 : i32 to vector<16xi32>
      %select_n3A_302 = arith.select %gt3A_297, %broadcast_in_dim3A_301, %select_n3A_269 : vector<16xi1>, vector<16xi32>
      %select_n3A_303 = arith.select %gt3A_296, %select_n3A_273, %select_n3A_302 : vector<16xi1>, vector<16xi32>
      %select_n3A_304 = arith.select %gt3A_296, %get3A_290, %select_n3A_270 : vector<16xi1>, vector<16xf32>
      %jit3A_305 = arith.constant 7 : i32
      %broadcast_in_dim3A_306 = vector.broadcast %jit3A_305 : i32 to vector<16xi32>
      %select_n3A_307 = arith.select %gt3A_296, %broadcast_in_dim3A_306, %select_n3A_273 : vector<16xi1>, vector<16xi32>
      %gt3A_308 = arith.cmpf ogt, %get3A_295, %select_n3A_282 : vector<16xf32>
      %gt3A_309 = arith.cmpf ogt, %get3A_295, %select_n3A_277 : vector<16xf32>
      %select_n3A_310 = arith.select %gt3A_309, %get3A_295, %select_n3A_277 : vector<16xi1>, vector<16xf32>
      %select_n3A_311 = arith.select %gt3A_308, %select_n3A_282, %select_n3A_310 : vector<16xi1>, vector<16xf32>
      %jit3A_312 = arith.constant 39 : i32
      %broadcast_in_dim3A_313 = vector.broadcast %jit3A_312 : i32 to vector<16xi32>
      %select_n3A_314 = arith.select %gt3A_309, %broadcast_in_dim3A_313, %select_n3A_281 : vector<16xi1>, vector<16xi32>
      %select_n3A_315 = arith.select %gt3A_308, %select_n3A_285, %select_n3A_314 : vector<16xi1>, vector<16xi32>
      %select_n3A_316 = arith.select %gt3A_308, %get3A_295, %select_n3A_282 : vector<16xi1>, vector<16xf32>
      %jit3A_317 = arith.constant 39 : i32
      %broadcast_in_dim3A_318 = vector.broadcast %jit3A_317 : i32 to vector<16xi32>
      %select_n3A_319 = arith.select %gt3A_308, %broadcast_in_dim3A_318, %select_n3A_285 : vector<16xi1>, vector<16xi32>
      %get3A_320 = arith.constant 8 : i32
      %get3A_321 = arith.index_cast %get3A_320 : i32 to index
      %get3A_322 = arith.index_cast %multiple_of3A : i32 to index
      %get3A_323 = tpu.vector_load %arg5[%get3A_321, %get3A_322] {strides = array<i32>} : memref<64x512xf32, #tpu.memory_space<vmem>>, vector<1x16xf32>,
      %get3A_324 = vector.shape_cast %get3A_323 : vector<1x16xf32> to vector<16xf32>
      %get3A_325 = arith.constant 40 : i32
      %get3A_326 = arith.index_cast %get3A_325 : i32 to index
      %get3A_327 = arith.index_cast %multiple_of3A : i32 to index
      %get3A_328 = tpu.vector_load %arg5[%get3A_326, %get3A_327] {strides = array<i32>} : memref<64x512xf32, #tpu.memory_space<vmem>>, vector<1x16xf32>,
      %get3A_329 = vector.shape_cast %get3A_328 : vector<1x16xf32> to vector<16xf32>
      %gt3A_330 = arith.cmpf ogt, %get3A_324, %select_n3A_304 : vector<16xf32>
      %gt3A_331 = arith.cmpf ogt, %get3A_324, %select_n3A_299 : vector<16xf32>
      %select_n3A_332 = arith.select %gt3A_331, %get3A_324, %select_n3A_299 : vector<16xi1>, vector<16xf32>
      %select_n3A_333 = arith.select %gt3A_330, %select_n3A_304, %select_n3A_332 : vector<16xi1>, vector<16xf32>
      %jit3A_334 = arith.constant 8 : i32
      %broadcast_in_dim3A_335 = vector.broadcast %jit3A_334 : i32 to vector<16xi32>
      %select_n3A_336 = arith.select %gt3A_331, %broadcast_in_dim3A_335, %select_n3A_303 : vector<16xi1>, vector<16xi32>
      %select_n3A_337 = arith.select %gt3A_330, %select_n3A_307, %select_n3A_336 : vector<16xi1>, vector<16xi32>
      %select_n3A_338 = arith.select %gt3A_330, %get3A_324, %select_n3A_304 : vector<16xi1>, vector<16xf32>
      %jit3A_339 = arith.constant 8 : i32
      %broadcast_in_dim3A_340 = vector.broadcast %jit3A_339 : i32 to vector<16xi32>
      %select_n3A_341 = arith.select %gt3A_330, %broadcast_in_dim3A_340, %select_n3A_307 : vector<16xi1>, vector<16xi32>
      %gt3A_342 = arith.cmpf ogt, %get3A_329, %select_n3A_316 : vector<16xf32>
      %gt3A_343 = arith.cmpf ogt, %get3A_329, %select_n3A_311 : vector<16xf32>
      %select_n3A_344 = arith.select %gt3A_343, %get3A_329, %select_n3A_311 : vector<16xi1>, vector<16xf32>
      %select_n3A_345 = arith.select %gt3A_342, %select_n3A_316, %select_n3A_344 : vector<16xi1>, vector<16xf32>
      %jit3A_346 = arith.constant 40 : i32
      %broadcast_in_dim3A_347 = vector.broadcast %jit3A_346 : i32 to vector<16xi32>
      %select_n3A_348 = arith.select %gt3A_343, %broadcast_in_dim3A_347, %select_n3A_315 : vector<16xi1>, vector<16xi32>
      %select_n3A_349 = arith.select %gt3A_342, %select_n3A_319, %select_n3A_348 : vector<16xi1>, vector<16xi32>
      %select_n3A_350 = arith.select %gt3A_342, %get3A_329, %select_n3A_316 : vector<16xi1>, vector<16xf32>
      %jit3A_351 = arith.constant 40 : i32
      %broadcast_in_dim3A_352 = vector.broadcast %jit3A_351 : i32 to vector<16xi32>
      %select_n3A_353 = arith.select %gt3A_342, %broadcast_in_dim3A_352, %select_n3A_319 : vector<16xi1>, vector<16xi32>
      %get3A_354 = arith.constant 9 : i32
      %get3A_355 = arith.index_cast %get3A_354 : i32 to index
      %get3A_356 = arith.index_cast %multiple_of3A : i32 to index
      %get3A_357 = tpu.vector_load %arg5[%get3A_355, %get3A_356] {strides = array<i32>} : memref<64x512xf32, #tpu.memory_space<vmem>>, vector<1x16xf32>,
      %get3A_358 = vector.shape_cast %get3A_357 : vector<1x16xf32> to vector<16xf32>
      %get3A_359 = arith.constant 41 : i32
      %get3A_360 = arith.index_cast %get3A_359 : i32 to index
      %get3A_361 = arith.index_cast %multiple_of3A : i32 to index
      %get3A_362 = tpu.vector_load %arg5[%get3A_360, %get3A_361] {strides = array<i32>} : memref<64x512xf32, #tpu.memory_space<vmem>>, vector<1x16xf32>,
      %get3A_363 = vector.shape_cast %get3A_362 : vector<1x16xf32> to vector<16xf32>
      %gt3A_364 = arith.cmpf ogt, %get3A_358, %select_n3A_338 : vector<16xf32>
      %gt3A_365 = arith.cmpf ogt, %get3A_358, %select_n3A_333 : vector<16xf32>
      %select_n3A_366 = arith.select %gt3A_365, %get3A_358, %select_n3A_333 : vector<16xi1>, vector<16xf32>
      %select_n3A_367 = arith.select %gt3A_364, %select_n3A_338, %select_n3A_366 : vector<16xi1>, vector<16xf32>
      %jit3A_368 = arith.constant 9 : i32
      %broadcast_in_dim3A_369 = vector.broadcast %jit3A_368 : i32 to vector<16xi32>
      %select_n3A_370 = arith.select %gt3A_365, %broadcast_in_dim3A_369, %select_n3A_337 : vector<16xi1>, vector<16xi32>
      %select_n3A_371 = arith.select %gt3A_364, %select_n3A_341, %select_n3A_370 : vector<16xi1>, vector<16xi32>
      %select_n3A_372 = arith.select %gt3A_364, %get3A_358, %select_n3A_338 : vector<16xi1>, vector<16xf32>
      %jit3A_373 = arith.constant 9 : i32
      %broadcast_in_dim3A_374 = vector.broadcast %jit3A_373 : i32 to vector<16xi32>
      %select_n3A_375 = arith.select %gt3A_364, %broadcast_in_dim3A_374, %select_n3A_341 : vector<16xi1>, vector<16xi32>
      %gt3A_376 = arith.cmpf ogt, %get3A_363, %select_n3A_350 : vector<16xf32>
      %gt3A_377 = arith.cmpf ogt, %get3A_363, %select_n3A_345 : vector<16xf32>
      %select_n3A_378 = arith.select %gt3A_377, %get3A_363, %select_n3A_345 : vector<16xi1>, vector<16xf32>
      %select_n3A_379 = arith.select %gt3A_376, %select_n3A_350, %select_n3A_378 : vector<16xi1>, vector<16xf32>
      %jit3A_380 = arith.constant 41 : i32
      %broadcast_in_dim3A_381 = vector.broadcast %jit3A_380 : i32 to vector<16xi32>
      %select_n3A_382 = arith.select %gt3A_377, %broadcast_in_dim3A_381, %select_n3A_349 : vector<16xi1>, vector<16xi32>
      %select_n3A_383 = arith.select %gt3A_376, %select_n3A_353, %select_n3A_382 : vector<16xi1>, vector<16xi32>
      %select_n3A_384 = arith.select %gt3A_376, %get3A_363, %select_n3A_350 : vector<16xi1>, vector<16xf32>
      %jit3A_385 = arith.constant 41 : i32
      %broadcast_in_dim3A_386 = vector.broadcast %jit3A_385 : i32 to vector<16xi32>
      %select_n3A_387 = arith.select %gt3A_376, %broadcast_in_dim3A_386, %select_n3A_353 : vector<16xi1>, vector<16xi32>
      %get3A_388 = arith.constant 10 : i32
      %get3A_389 = arith.index_cast %get3A_388 : i32 to index
      %get3A_390 = arith.index_cast %multiple_of3A : i32 to index
      %get3A_391 = tpu.vector_load %arg5[%get3A_389, %get3A_390] {strides = array<i32>} : memref<64x512xf32, #tpu.memory_space<vmem>>, vector<1x16xf32>,
      %get3A_392 = vector.shape_cast %get3A_391 : vector<1x16xf32> to vector<16xf32>
      %get3A_393 = arith.constant 42 : i32
      %get3A_394 = arith.index_cast %get3A_393 : i32 to index
      %get3A_395 = arith.index_cast %multiple_of3A : i32 to index
      %get3A_396 = tpu.vector_load %arg5[%get3A_394, %get3A_395] {strides = array<i32>} : memref<64x512xf32, #tpu.memory_space<vmem>>, vector<1x16xf32>,
      %get3A_397 = vector.shape_cast %get3A_396 : vector<1x16xf32> to vector<16xf32>
      %gt3A_398 = arith.cmpf ogt, %get3A_392, %select_n3A_372 : vector<16xf32>
      %gt3A_399 = arith.cmpf ogt, %get3A_392, %select_n3A_367 : vector<16xf32>
      %select_n3A_400 = arith.select %gt3A_399, %get3A_392, %select_n3A_367 : vector<16xi1>, vector<16xf32>
      %select_n3A_401 = arith.select %gt3A_398, %select_n3A_372, %select_n3A_400 : vector<16xi1>, vector<16xf32>
      %jit3A_402 = arith.constant 10 : i32
      %broadcast_in_dim3A_403 = vector.broadcast %jit3A_402 : i32 to vector<16xi32>
      %select_n3A_404 = arith.select %gt3A_399, %broadcast_in_dim3A_403, %select_n3A_371 : vector<16xi1>, vector<16xi32>
      %select_n3A_405 = arith.select %gt3A_398, %select_n3A_375, %select_n3A_404 : vector<16xi1>, vector<16xi32>
      %select_n3A_406 = arith.select %gt3A_398, %get3A_392, %select_n3A_372 : vector<16xi1>, vector<16xf32>
      %jit3A_407 = arith.constant 10 : i32
      %broadcast_in_dim3A_408 = vector.broadcast %jit3A_407 : i32 to vector<16xi32>
      %select_n3A_409 = arith.select %gt3A_398, %broadcast_in_dim3A_408, %select_n3A_375 : vector<16xi1>, vector<16xi32>
      %gt3A_410 = arith.cmpf ogt, %get3A_397, %select_n3A_384 : vector<16xf32>
      %gt3A_411 = arith.cmpf ogt, %get3A_397, %select_n3A_379 : vector<16xf32>
      %select_n3A_412 = arith.select %gt3A_411, %get3A_397, %select_n3A_379 : vector<16xi1>, vector<16xf32>
      %select_n3A_413 = arith.select %gt3A_410, %select_n3A_384, %select_n3A_412 : vector<16xi1>, vector<16xf32>
      %jit3A_414 = arith.constant 42 : i32
      %broadcast_in_dim3A_415 = vector.broadcast %jit3A_414 : i32 to vector<16xi32>
      %select_n3A_416 = arith.select %gt3A_411, %broadcast_in_dim3A_415, %select_n3A_383 : vector<16xi1>, vector<16xi32>
      %select_n3A_417 = arith.select %gt3A_410, %select_n3A_387, %select_n3A_416 : vector<16xi1>, vector<16xi32>
      %select_n3A_418 = arith.select %gt3A_410, %get3A_397, %select_n3A_384 : vector<16xi1>, vector<16xf32>
      %jit3A_419 = arith.constant 42 : i32
      %broadcast_in_dim3A_420 = vector.broadcast %jit3A_419 : i32 to vector<16xi32>
      %select_n3A_421 = arith.select %gt3A_410, %broadcast_in_dim3A_420, %select_n3A_387 : vector<16xi1>, vector<16xi32>
      %get3A_422 = arith.constant 11 : i32
      %get3A_423 = arith.index_cast %get3A_422 : i32 to index
      %get3A_424 = arith.index_cast %multiple_of3A : i32 to index
      %get3A_425 = tpu.vector_load %arg5[%get3A_423, %get3A_424] {strides = array<i32>} : memref<64x512xf32, #tpu.memory_space<vmem>>, vector<1x16xf32>,
      %get3A_426 = vector.shape_cast %get3A_425 : vector<1x16xf32> to vector<16xf32>
      %get3A_427 = arith.constant 43 : i32
      %get3A_428 = arith.index_cast %get3A_427 : i32 to index
      %get3A_429 = arith.index_cast %multiple_of3A : i32 to index
      %get3A_430 = tpu.vector_load %arg5[%get3A_428, %get3A_429] {strides = array<i32>} : memref<64x512xf32, #tpu.memory_space<vmem>>, vector<1x16xf32>,
      %get3A_431 = vector.shape_cast %get3A_430 : vector<1x16xf32> to vector<16xf32>
      %gt3A_432 = arith.cmpf ogt, %get3A_426, %select_n3A_406 : vector<16xf32>
      %gt3A_433 = arith.cmpf ogt, %get3A_426, %select_n3A_401 : vector<16xf32>
      %select_n3A_434 = arith.select %gt3A_433, %get3A_426, %select_n3A_401 : vector<16xi1>, vector<16xf32>
      %select_n3A_435 = arith.select %gt3A_432, %select_n3A_406, %select_n3A_434 : vector<16xi1>, vector<16xf32>
      %jit3A_436 = arith.constant 11 : i32
      %broadcast_in_dim3A_437 = vector.broadcast %jit3A_436 : i32 to vector<16xi32>
      %select_n3A_438 = arith.select %gt3A_433, %broadcast_in_dim3A_437, %select_n3A_405 : vector<16xi1>, vector<16xi32>
      %select_n3A_439 = arith.select %gt3A_432, %select_n3A_409, %select_n3A_438 : vector<16xi1>, vector<16xi32>
      %select_n3A_440 = arith.select %gt3A_432, %get3A_426, %select_n3A_406 : vector<16xi1>, vector<16xf32>
      %jit3A_441 = arith.constant 11 : i32
      %broadcast_in_dim3A_442 = vector.broadcast %jit3A_441 : i32 to vector<16xi32>
      %select_n3A_443 = arith.select %gt3A_432, %broadcast_in_dim3A_442, %select_n3A_409 : vector<16xi1>, vector<16xi32>
      %gt3A_444 = arith.cmpf ogt, %get3A_431, %select_n3A_418 : vector<16xf32>
      %gt3A_445 = arith.cmpf ogt, %get3A_431, %select_n3A_413 : vector<16xf32>
      %select_n3A_446 = arith.select %gt3A_445, %get3A_431, %select_n3A_413 : vector<16xi1>, vector<16xf32>
      %select_n3A_447 = arith.select %gt3A_444, %select_n3A_418, %select_n3A_446 : vector<16xi1>, vector<16xf32>
      %jit3A_448 = arith.constant 43 : i32
      %broadcast_in_dim3A_449 = vector.broadcast %jit3A_448 : i32 to vector<16xi32>
      %select_n3A_450 = arith.select %gt3A_445, %broadcast_in_dim3A_449, %select_n3A_417 : vector<16xi1>, vector<16xi32>
      %select_n3A_451 = arith.select %gt3A_444, %select_n3A_421, %select_n3A_450 : vector<16xi1>, vector<16xi32>
      %select_n3A_452 = arith.select %gt3A_444, %get3A_431, %select_n3A_418 : vector<16xi1>, vector<16xf32>
      %jit3A_453 = arith.constant 43 : i32
      %broadcast_in_dim3A_454 = vector.broadcast %jit3A_453 : i32 to vector<16xi32>
      %select_n3A_455 = arith.select %gt3A_444, %broadcast_in_dim3A_454, %select_n3A_421 : vector<16xi1>, vector<16xi32>
      %get3A_456 = arith.constant 12 : i32
      %get3A_457 = arith.index_cast %get3A_456 : i32 to index
      %get3A_458 = arith.index_cast %multiple_of3A : i32 to index
      %get3A_459 = tpu.vector_load %arg5[%get3A_457, %get3A_458] {strides = array<i32>} : memref<64x512xf32, #tpu.memory_space<vmem>>, vector<1x16xf32>,
      %get3A_460 = vector.shape_cast %get3A_459 : vector<1x16xf32> to vector<16xf32>
      %get3A_461 = arith.constant 44 : i32
      %get3A_462 = arith.index_cast %get3A_461 : i32 to index
      %get3A_463 = arith.index_cast %multiple_of3A : i32 to index
      %get3A_464 = tpu.vector_load %arg5[%get3A_462, %get3A_463] {strides = array<i32>} : memref<64x512xf32, #tpu.memory_space<vmem>>, vector<1x16xf32>,
      %get3A_465 = vector.shape_cast %get3A_464 : vector<1x16xf32> to vector<16xf32>
      %gt3A_466 = arith.cmpf ogt, %get3A_460, %select_n3A_440 : vector<16xf32>
      %gt3A_467 = arith.cmpf ogt, %get3A_460, %select_n3A_435 : vector<16xf32>
      %select_n3A_468 = arith.select %gt3A_467, %get3A_460, %select_n3A_435 : vector<16xi1>, vector<16xf32>
      %select_n3A_469 = arith.select %gt3A_466, %select_n3A_440, %select_n3A_468 : vector<16xi1>, vector<16xf32>
      %jit3A_470 = arith.constant 12 : i32
      %broadcast_in_dim3A_471 = vector.broadcast %jit3A_470 : i32 to vector<16xi32>
      %select_n3A_472 = arith.select %gt3A_467, %broadcast_in_dim3A_471, %select_n3A_439 : vector<16xi1>, vector<16xi32>
      %select_n3A_473 = arith.select %gt3A_466, %select_n3A_443, %select_n3A_472 : vector<16xi1>, vector<16xi32>
      %select_n3A_474 = arith.select %gt3A_466, %get3A_460, %select_n3A_440 : vector<16xi1>, vector<16xf32>
      %jit3A_475 = arith.constant 12 : i32
      %broadcast_in_dim3A_476 = vector.broadcast %jit3A_475 : i32 to vector<16xi32>
      %select_n3A_477 = arith.select %gt3A_466, %broadcast_in_dim3A_476, %select_n3A_443 : vector<16xi1>, vector<16xi32>
      %gt3A_478 = arith.cmpf ogt, %get3A_465, %select_n3A_452 : vector<16xf32>
      %gt3A_479 = arith.cmpf ogt, %get3A_465, %select_n3A_447 : vector<16xf32>
      %select_n3A_480 = arith.select %gt3A_479, %get3A_465, %select_n3A_447 : vector<16xi1>, vector<16xf32>
      %select_n3A_481 = arith.select %gt3A_478, %select_n3A_452, %select_n3A_480 : vector<16xi1>, vector<16xf32>
      %jit3A_482 = arith.constant 44 : i32
      %broadcast_in_dim3A_483 = vector.broadcast %jit3A_482 : i32 to vector<16xi32>
      %select_n3A_484 = arith.select %gt3A_479, %broadcast_in_dim3A_483, %select_n3A_451 : vector<16xi1>, vector<16xi32>
      %select_n3A_485 = arith.select %gt3A_478, %select_n3A_455, %select_n3A_484 : vector<16xi1>, vector<16xi32>
      %select_n3A_486 = arith.select %gt3A_478, %get3A_465, %select_n3A_452 : vector<16xi1>, vector<16xf32>
      %jit3A_487 = arith.constant 44 : i32
      %broadcast_in_dim3A_488 = vector.broadcast %jit3A_487 : i32 to vector<16xi32>
      %select_n3A_489 = arith.select %gt3A_478, %broadcast_in_dim3A_488, %select_n3A_455 : vector<16xi1>, vector<16xi32>
      %get3A_490 = arith.constant 13 : i32
      %get3A_491 = arith.index_cast %get3A_490 : i32 to index
      %get3A_492 = arith.index_cast %multiple_of3A : i32 to index
      %get3A_493 = tpu.vector_load %arg5[%get3A_491, %get3A_492] {strides = array<i32>} : memref<64x512xf32, #tpu.memory_space<vmem>>, vector<1x16xf32>,
      %get3A_494 = vector.shape_cast %get3A_493 : vector<1x16xf32> to vector<16xf32>
      %get3A_495 = arith.constant 45 : i32
      %get3A_496 = arith.index_cast %get3A_495 : i32 to index
      %get3A_497 = arith.index_cast %multiple_of3A : i32 to index
      %get3A_498 = tpu.vector_load %arg5[%get3A_496, %get3A_497] {strides = array<i32>} : memref<64x512xf32, #tpu.memory_space<vmem>>, vector<1x16xf32>,
      %get3A_499 = vector.shape_cast %get3A_498 : vector<1x16xf32> to vector<16xf32>
      %gt3A_500 = arith.cmpf ogt, %get3A_494, %select_n3A_474 : vector<16xf32>
      %gt3A_501 = arith.cmpf ogt, %get3A_494, %select_n3A_469 : vector<16xf32>
      %select_n3A_502 = arith.select %gt3A_501, %get3A_494, %select_n3A_469 : vector<16xi1>, vector<16xf32>
      %select_n3A_503 = arith.select %gt3A_500, %select_n3A_474, %select_n3A_502 : vector<16xi1>, vector<16xf32>
      %jit3A_504 = arith.constant 13 : i32
      %broadcast_in_dim3A_505 = vector.broadcast %jit3A_504 : i32 to vector<16xi32>
      %select_n3A_506 = arith.select %gt3A_501, %broadcast_in_dim3A_505, %select_n3A_473 : vector<16xi1>, vector<16xi32>
      %select_n3A_507 = arith.select %gt3A_500, %select_n3A_477, %select_n3A_506 : vector<16xi1>, vector<16xi32>
      %select_n3A_508 = arith.select %gt3A_500, %get3A_494, %select_n3A_474 : vector<16xi1>, vector<16xf32>
      %jit3A_509 = arith.constant 13 : i32
      %broadcast_in_dim3A_510 = vector.broadcast %jit3A_509 : i32 to vector<16xi32>
      %select_n3A_511 = arith.select %gt3A_500, %broadcast_in_dim3A_510, %select_n3A_477 : vector<16xi1>, vector<16xi32>
      %gt3A_512 = arith.cmpf ogt, %get3A_499, %select_n3A_486 : vector<16xf32>
      %gt3A_513 = arith.cmpf ogt, %get3A_499, %select_n3A_481 : vector<16xf32>
      %select_n3A_514 = arith.select %gt3A_513, %get3A_499, %select_n3A_481 : vector<16xi1>, vector<16xf32>
      %select_n3A_515 = arith.select %gt3A_512, %select_n3A_486, %select_n3A_514 : vector<16xi1>, vector<16xf32>
      %jit3A_516 = arith.constant 45 : i32
      %broadcast_in_dim3A_517 = vector.broadcast %jit3A_516 : i32 to vector<16xi32>
      %select_n3A_518 = arith.select %gt3A_513, %broadcast_in_dim3A_517, %select_n3A_485 : vector<16xi1>, vector<16xi32>
      %select_n3A_519 = arith.select %gt3A_512, %select_n3A_489, %select_n3A_518 : vector<16xi1>, vector<16xi32>
      %select_n3A_520 = arith.select %gt3A_512, %get3A_499, %select_n3A_486 : vector<16xi1>, vector<16xf32>
      %jit3A_521 = arith.constant 45 : i32
      %broadcast_in_dim3A_522 = vector.broadcast %jit3A_521 : i32 to vector<16xi32>
      %select_n3A_523 = arith.select %gt3A_512, %broadcast_in_dim3A_522, %select_n3A_489 : vector<16xi1>, vector<16xi32>
      %get3A_524 = arith.constant 14 : i32
      %get3A_525 = arith.index_cast %get3A_524 : i32 to index
      %get3A_526 = arith.index_cast %multiple_of3A : i32 to index
      %get3A_527 = tpu.vector_load %arg5[%get3A_525, %get3A_526] {strides = array<i32>} : memref<64x512xf32, #tpu.memory_space<vmem>>, vector<1x16xf32>,
      %get3A_528 = vector.shape_cast %get3A_527 : vector<1x16xf32> to vector<16xf32>
      %get3A_529 = arith.constant 46 : i32
      %get3A_530 = arith.index_cast %get3A_529 : i32 to index
      %get3A_531 = arith.index_cast %multiple_of3A : i32 to index
      %get3A_532 = tpu.vector_load %arg5[%get3A_530, %get3A_531] {strides = array<i32>} : memref<64x512xf32, #tpu.memory_space<vmem>>, vector<1x16xf32>,
      %get3A_533 = vector.shape_cast %get3A_532 : vector<1x16xf32> to vector<16xf32>
      %gt3A_534 = arith.cmpf ogt, %get3A_528, %select_n3A_508 : vector<16xf32>
      %gt3A_535 = arith.cmpf ogt, %get3A_528, %select_n3A_503 : vector<16xf32>
      %select_n3A_536 = arith.select %gt3A_535, %get3A_528, %select_n3A_503 : vector<16xi1>, vector<16xf32>
      %select_n3A_537 = arith.select %gt3A_534, %select_n3A_508, %select_n3A_536 : vector<16xi1>, vector<16xf32>
      %jit3A_538 = arith.constant 14 : i32
      %broadcast_in_dim3A_539 = vector.broadcast %jit3A_538 : i32 to vector<16xi32>
      %select_n3A_540 = arith.select %gt3A_535, %broadcast_in_dim3A_539, %select_n3A_507 : vector<16xi1>, vector<16xi32>
      %select_n3A_541 = arith.select %gt3A_534, %select_n3A_511, %select_n3A_540 : vector<16xi1>, vector<16xi32>
      %select_n3A_542 = arith.select %gt3A_534, %get3A_528, %select_n3A_508 : vector<16xi1>, vector<16xf32>
      %jit3A_543 = arith.constant 14 : i32
      %broadcast_in_dim3A_544 = vector.broadcast %jit3A_543 : i32 to vector<16xi32>
      %select_n3A_545 = arith.select %gt3A_534, %broadcast_in_dim3A_544, %select_n3A_511 : vector<16xi1>, vector<16xi32>
      %gt3A_546 = arith.cmpf ogt, %get3A_533, %select_n3A_520 : vector<16xf32>
      %gt3A_547 = arith.cmpf ogt, %get3A_533, %select_n3A_515 : vector<16xf32>
      %select_n3A_548 = arith.select %gt3A_547, %get3A_533, %select_n3A_515 : vector<16xi1>, vector<16xf32>
      %select_n3A_549 = arith.select %gt3A_546, %select_n3A_520, %select_n3A_548 : vector<16xi1>, vector<16xf32>
      %jit3A_550 = arith.constant 46 : i32
      %broadcast_in_dim3A_551 = vector.broadcast %jit3A_550 : i32 to vector<16xi32>
      %select_n3A_552 = arith.select %gt3A_547, %broadcast_in_dim3A_551, %select_n3A_519 : vector<16xi1>, vector<16xi32>
      %select_n3A_553 = arith.select %gt3A_546, %select_n3A_523, %select_n3A_552 : vector<16xi1>, vector<16xi32>
      %select_n3A_554 = arith.select %gt3A_546, %get3A_533, %select_n3A_520 : vector<16xi1>, vector<16xf32>
      %jit3A_555 = arith.constant 46 : i32
      %broadcast_in_dim3A_556 = vector.broadcast %jit3A_555 : i32 to vector<16xi32>
      %select_n3A_557 = arith.select %gt3A_546, %broadcast_in_dim3A_556, %select_n3A_523 : vector<16xi1>, vector<16xi32>
      %get3A_558 = arith.constant 15 : i32
      %get3A_559 = arith.index_cast %get3A_558 : i32 to index
      %get3A_560 = arith.index_cast %multiple_of3A : i32 to index
      %get3A_561 = tpu.vector_load %arg5[%get3A_559, %get3A_560] {strides = array<i32>} : memref<64x512xf32, #tpu.memory_space<vmem>>, vector<1x16xf32>,
      %get3A_562 = vector.shape_cast %get3A_561 : vector<1x16xf32> to vector<16xf32>
      %get3A_563 = arith.constant 47 : i32
      %get3A_564 = arith.index_cast %get3A_563 : i32 to index
      %get3A_565 = arith.index_cast %multiple_of3A : i32 to index
      %get3A_566 = tpu.vector_load %arg5[%get3A_564, %get3A_565] {strides = array<i32>} : memref<64x512xf32, #tpu.memory_space<vmem>>, vector<1x16xf32>,
      %get3A_567 = vector.shape_cast %get3A_566 : vector<1x16xf32> to vector<16xf32>
      %gt3A_568 = arith.cmpf ogt, %get3A_562, %select_n3A_542 : vector<16xf32>
      %gt3A_569 = arith.cmpf ogt, %get3A_562, %select_n3A_537 : vector<16xf32>
      %select_n3A_570 = arith.select %gt3A_569, %get3A_562, %select_n3A_537 : vector<16xi1>, vector<16xf32>
      %select_n3A_571 = arith.select %gt3A_568, %select_n3A_542, %select_n3A_570 : vector<16xi1>, vector<16xf32>
      %jit3A_572 = arith.constant 15 : i32
      %broadcast_in_dim3A_573 = vector.broadcast %jit3A_572 : i32 to vector<16xi32>
      %select_n3A_574 = arith.select %gt3A_569, %broadcast_in_dim3A_573, %select_n3A_541 : vector<16xi1>, vector<16xi32>
      %select_n3A_575 = arith.select %gt3A_568, %select_n3A_545, %select_n3A_574 : vector<16xi1>, vector<16xi32>
      %select_n3A_576 = arith.select %gt3A_568, %get3A_562, %select_n3A_542 : vector<16xi1>, vector<16xf32>
      %jit3A_577 = arith.constant 15 : i32
      %broadcast_in_dim3A_578 = vector.broadcast %jit3A_577 : i32 to vector<16xi32>
      %select_n3A_579 = arith.select %gt3A_568, %broadcast_in_dim3A_578, %select_n3A_545 : vector<16xi1>, vector<16xi32>
      %gt3A_580 = arith.cmpf ogt, %get3A_567, %select_n3A_554 : vector<16xf32>
      %gt3A_581 = arith.cmpf ogt, %get3A_567, %select_n3A_549 : vector<16xf32>
      %select_n3A_582 = arith.select %gt3A_581, %get3A_567, %select_n3A_549 : vector<16xi1>, vector<16xf32>
      %select_n3A_583 = arith.select %gt3A_580, %select_n3A_554, %select_n3A_582 : vector<16xi1>, vector<16xf32>
      %jit3A_584 = arith.constant 47 : i32
      %broadcast_in_dim3A_585 = vector.broadcast %jit3A_584 : i32 to vector<16xi32>
      %select_n3A_586 = arith.select %gt3A_581, %broadcast_in_dim3A_585, %select_n3A_553 : vector<16xi1>, vector<16xi32>
      %select_n3A_587 = arith.select %gt3A_580, %select_n3A_557, %select_n3A_586 : vector<16xi1>, vector<16xi32>
      %select_n3A_588 = arith.select %gt3A_580, %get3A_567, %select_n3A_554 : vector<16xi1>, vector<16xf32>
      %jit3A_589 = arith.constant 47 : i32
      %broadcast_in_dim3A_590 = vector.broadcast %jit3A_589 : i32 to vector<16xi32>
      %select_n3A_591 = arith.select %gt3A_580, %broadcast_in_dim3A_590, %select_n3A_557 : vector<16xi1>, vector<16xi32>
      %get3A_592 = arith.constant 16 : i32
      %get3A_593 = arith.index_cast %get3A_592 : i32 to index
      %get3A_594 = arith.index_cast %multiple_of3A : i32 to index
      %get3A_595 = tpu.vector_load %arg5[%get3A_593, %get3A_594] {strides = array<i32>} : memref<64x512xf32, #tpu.memory_space<vmem>>, vector<1x16xf32>,
      %get3A_596 = vector.shape_cast %get3A_595 : vector<1x16xf32> to vector<16xf32>
      %get3A_597 = arith.constant 48 : i32
      %get3A_598 = arith.index_cast %get3A_597 : i32 to index
      %get3A_599 = arith.index_cast %multiple_of3A : i32 to index
      %get3A_600 = tpu.vector_load %arg5[%get3A_598, %get3A_599] {strides = array<i32>} : memref<64x512xf32, #tpu.memory_space<vmem>>, vector<1x16xf32>,
      %get3A_601 = vector.shape_cast %get3A_600 : vector<1x16xf32> to vector<16xf32>
      %gt3A_602 = arith.cmpf ogt, %get3A_596, %select_n3A_576 : vector<16xf32>
      %gt3A_603 = arith.cmpf ogt, %get3A_596, %select_n3A_571 : vector<16xf32>
      %select_n3A_604 = arith.select %gt3A_603, %get3A_596, %select_n3A_571 : vector<16xi1>, vector<16xf32>
      %select_n3A_605 = arith.select %gt3A_602, %select_n3A_576, %select_n3A_604 : vector<16xi1>, vector<16xf32>
      %jit3A_606 = arith.constant 16 : i32
      %broadcast_in_dim3A_607 = vector.broadcast %jit3A_606 : i32 to vector<16xi32>
      %select_n3A_608 = arith.select %gt3A_603, %broadcast_in_dim3A_607, %select_n3A_575 : vector<16xi1>, vector<16xi32>
      %select_n3A_609 = arith.select %gt3A_602, %select_n3A_579, %select_n3A_608 : vector<16xi1>, vector<16xi32>
      %select_n3A_610 = arith.select %gt3A_602, %get3A_596, %select_n3A_576 : vector<16xi1>, vector<16xf32>
      %jit3A_611 = arith.constant 16 : i32
      %broadcast_in_dim3A_612 = vector.broadcast %jit3A_611 : i32 to vector<16xi32>
      %select_n3A_613 = arith.select %gt3A_602, %broadcast_in_dim3A_612, %select_n3A_579 : vector<16xi1>, vector<16xi32>
      %gt3A_614 = arith.cmpf ogt, %get3A_601, %select_n3A_588 : vector<16xf32>
      %gt3A_615 = arith.cmpf ogt, %get3A_601, %select_n3A_583 : vector<16xf32>
      %select_n3A_616 = arith.select %gt3A_615, %get3A_601, %select_n3A_583 : vector<16xi1>, vector<16xf32>
      %select_n3A_617 = arith.select %gt3A_614, %select_n3A_588, %select_n3A_616 : vector<16xi1>, vector<16xf32>
      %jit3A_618 = arith.constant 48 : i32
      %broadcast_in_dim3A_619 = vector.broadcast %jit3A_618 : i32 to vector<16xi32>
      %select_n3A_620 = arith.select %gt3A_615, %broadcast_in_dim3A_619, %select_n3A_587 : vector<16xi1>, vector<16xi32>
      %select_n3A_621 = arith.select %gt3A_614, %select_n3A_591, %select_n3A_620 : vector<16xi1>, vector<16xi32>
      %select_n3A_622 = arith.select %gt3A_614, %get3A_601, %select_n3A_588 : vector<16xi1>, vector<16xf32>
      %jit3A_623 = arith.constant 48 : i32
      %broadcast_in_dim3A_624 = vector.broadcast %jit3A_623 : i32 to vector<16xi32>
      %select_n3A_625 = arith.select %gt3A_614, %broadcast_in_dim3A_624, %select_n3A_591 : vector<16xi1>, vector<16xi32>
      %get3A_626 = arith.constant 17 : i32
      %get3A_627 = arith.index_cast %get3A_626 : i32 to index
      %get3A_628 = arith.index_cast %multiple_of3A : i32 to index
      %get3A_629 = tpu.vector_load %arg5[%get3A_627, %get3A_628] {strides = array<i32>} : memref<64x512xf32, #tpu.memory_space<vmem>>, vector<1x16xf32>,
      %get3A_630 = vector.shape_cast %get3A_629 : vector<1x16xf32> to vector<16xf32>
      %get3A_631 = arith.constant 49 : i32
      %get3A_632 = arith.index_cast %get3A_631 : i32 to index
      %get3A_633 = arith.index_cast %multiple_of3A : i32 to index
      %get3A_634 = tpu.vector_load %arg5[%get3A_632, %get3A_633] {strides = array<i32>} : memref<64x512xf32, #tpu.memory_space<vmem>>, vector<1x16xf32>,
      %get3A_635 = vector.shape_cast %get3A_634 : vector<1x16xf32> to vector<16xf32>
      %gt3A_636 = arith.cmpf ogt, %get3A_630, %select_n3A_610 : vector<16xf32>
      %gt3A_637 = arith.cmpf ogt, %get3A_630, %select_n3A_605 : vector<16xf32>
      %select_n3A_638 = arith.select %gt3A_637, %get3A_630, %select_n3A_605 : vector<16xi1>, vector<16xf32>
      %select_n3A_639 = arith.select %gt3A_636, %select_n3A_610, %select_n3A_638 : vector<16xi1>, vector<16xf32>
      %jit3A_640 = arith.constant 17 : i32
      %broadcast_in_dim3A_641 = vector.broadcast %jit3A_640 : i32 to vector<16xi32>
      %select_n3A_642 = arith.select %gt3A_637, %broadcast_in_dim3A_641, %select_n3A_609 : vector<16xi1>, vector<16xi32>
      %select_n3A_643 = arith.select %gt3A_636, %select_n3A_613, %select_n3A_642 : vector<16xi1>, vector<16xi32>
      %select_n3A_644 = arith.select %gt3A_636, %get3A_630, %select_n3A_610 : vector<16xi1>, vector<16xf32>
      %jit3A_645 = arith.constant 17 : i32
      %broadcast_in_dim3A_646 = vector.broadcast %jit3A_645 : i32 to vector<16xi32>
      %select_n3A_647 = arith.select %gt3A_636, %broadcast_in_dim3A_646, %select_n3A_613 : vector<16xi1>, vector<16xi32>
      %gt3A_648 = arith.cmpf ogt, %get3A_635, %select_n3A_622 : vector<16xf32>
      %gt3A_649 = arith.cmpf ogt, %get3A_635, %select_n3A_617 : vector<16xf32>
      %select_n3A_650 = arith.select %gt3A_649, %get3A_635, %select_n3A_617 : vector<16xi1>, vector<16xf32>
      %select_n3A_651 = arith.select %gt3A_648, %select_n3A_622, %select_n3A_650 : vector<16xi1>, vector<16xf32>
      %jit3A_652 = arith.constant 49 : i32
      %broadcast_in_dim3A_653 = vector.broadcast %jit3A_652 : i32 to vector<16xi32>
      %select_n3A_654 = arith.select %gt3A_649, %broadcast_in_dim3A_653, %select_n3A_621 : vector<16xi1>, vector<16xi32>
      %select_n3A_655 = arith.select %gt3A_648, %select_n3A_625, %select_n3A_654 : vector<16xi1>, vector<16xi32>
      %select_n3A_656 = arith.select %gt3A_648, %get3A_635, %select_n3A_622 : vector<16xi1>, vector<16xf32>
      %jit3A_657 = arith.constant 49 : i32
      %broadcast_in_dim3A_658 = vector.broadcast %jit3A_657 : i32 to vector<16xi32>
      %select_n3A_659 = arith.select %gt3A_648, %broadcast_in_dim3A_658, %select_n3A_625 : vector<16xi1>, vector<16xi32>
      %get3A_660 = arith.constant 18 : i32
      %get3A_661 = arith.index_cast %get3A_660 : i32 to index
      %get3A_662 = arith.index_cast %multiple_of3A : i32 to index
      %get3A_663 = tpu.vector_load %arg5[%get3A_661, %get3A_662] {strides = array<i32>} : memref<64x512xf32, #tpu.memory_space<vmem>>, vector<1x16xf32>,
      %get3A_664 = vector.shape_cast %get3A_663 : vector<1x16xf32> to vector<16xf32>
      %get3A_665 = arith.constant 50 : i32
      %get3A_666 = arith.index_cast %get3A_665 : i32 to index
      %get3A_667 = arith.index_cast %multiple_of3A : i32 to index
      %get3A_668 = tpu.vector_load %arg5[%get3A_666, %get3A_667] {strides = array<i32>} : memref<64x512xf32, #tpu.memory_space<vmem>>, vector<1x16xf32>,
      %get3A_669 = vector.shape_cast %get3A_668 : vector<1x16xf32> to vector<16xf32>
      %gt3A_670 = arith.cmpf ogt, %get3A_664, %select_n3A_644 : vector<16xf32>
      %gt3A_671 = arith.cmpf ogt, %get3A_664, %select_n3A_639 : vector<16xf32>
      %select_n3A_672 = arith.select %gt3A_671, %get3A_664, %select_n3A_639 : vector<16xi1>, vector<16xf32>
      %select_n3A_673 = arith.select %gt3A_670, %select_n3A_644, %select_n3A_672 : vector<16xi1>, vector<16xf32>
      %jit3A_674 = arith.constant 18 : i32
      %broadcast_in_dim3A_675 = vector.broadcast %jit3A_674 : i32 to vector<16xi32>
      %select_n3A_676 = arith.select %gt3A_671, %broadcast_in_dim3A_675, %select_n3A_643 : vector<16xi1>, vector<16xi32>
      %select_n3A_677 = arith.select %gt3A_670, %select_n3A_647, %select_n3A_676 : vector<16xi1>, vector<16xi32>
      %select_n3A_678 = arith.select %gt3A_670, %get3A_664, %select_n3A_644 : vector<16xi1>, vector<16xf32>
      %jit3A_679 = arith.constant 18 : i32
      %broadcast_in_dim3A_680 = vector.broadcast %jit3A_679 : i32 to vector<16xi32>
      %select_n3A_681 = arith.select %gt3A_670, %broadcast_in_dim3A_680, %select_n3A_647 : vector<16xi1>, vector<16xi32>
      %gt3A_682 = arith.cmpf ogt, %get3A_669, %select_n3A_656 : vector<16xf32>
      %gt3A_683 = arith.cmpf ogt, %get3A_669, %select_n3A_651 : vector<16xf32>
      %select_n3A_684 = arith.select %gt3A_683, %get3A_669, %select_n3A_651 : vector<16xi1>, vector<16xf32>
      %select_n3A_685 = arith.select %gt3A_682, %select_n3A_656, %select_n3A_684 : vector<16xi1>, vector<16xf32>
      %jit3A_686 = arith.constant 50 : i32
      %broadcast_in_dim3A_687 = vector.broadcast %jit3A_686 : i32 to vector<16xi32>
      %select_n3A_688 = arith.select %gt3A_683, %broadcast_in_dim3A_687, %select_n3A_655 : vector<16xi1>, vector<16xi32>
      %select_n3A_689 = arith.select %gt3A_682, %select_n3A_659, %select_n3A_688 : vector<16xi1>, vector<16xi32>
      %select_n3A_690 = arith.select %gt3A_682, %get3A_669, %select_n3A_656 : vector<16xi1>, vector<16xf32>
      %jit3A_691 = arith.constant 50 : i32
      %broadcast_in_dim3A_692 = vector.broadcast %jit3A_691 : i32 to vector<16xi32>
      %select_n3A_693 = arith.select %gt3A_682, %broadcast_in_dim3A_692, %select_n3A_659 : vector<16xi1>, vector<16xi32>
      %get3A_694 = arith.constant 19 : i32
      %get3A_695 = arith.index_cast %get3A_694 : i32 to index
      %get3A_696 = arith.index_cast %multiple_of3A : i32 to index
      %get3A_697 = tpu.vector_load %arg5[%get3A_695, %get3A_696] {strides = array<i32>} : memref<64x512xf32, #tpu.memory_space<vmem>>, vector<1x16xf32>,
      %get3A_698 = vector.shape_cast %get3A_697 : vector<1x16xf32> to vector<16xf32>
      %get3A_699 = arith.constant 51 : i32
      %get3A_700 = arith.index_cast %get3A_699 : i32 to index
      %get3A_701 = arith.index_cast %multiple_of3A : i32 to index
      %get3A_702 = tpu.vector_load %arg5[%get3A_700, %get3A_701] {strides = array<i32>} : memref<64x512xf32, #tpu.memory_space<vmem>>, vector<1x16xf32>,
      %get3A_703 = vector.shape_cast %get3A_702 : vector<1x16xf32> to vector<16xf32>
      %gt3A_704 = arith.cmpf ogt, %get3A_698, %select_n3A_678 : vector<16xf32>
      %gt3A_705 = arith.cmpf ogt, %get3A_698, %select_n3A_673 : vector<16xf32>
      %select_n3A_706 = arith.select %gt3A_705, %get3A_698, %select_n3A_673 : vector<16xi1>, vector<16xf32>
      %select_n3A_707 = arith.select %gt3A_704, %select_n3A_678, %select_n3A_706 : vector<16xi1>, vector<16xf32>
      %jit3A_708 = arith.constant 19 : i32
      %broadcast_in_dim3A_709 = vector.broadcast %jit3A_708 : i32 to vector<16xi32>
      %select_n3A_710 = arith.select %gt3A_705, %broadcast_in_dim3A_709, %select_n3A_677 : vector<16xi1>, vector<16xi32>
      %select_n3A_711 = arith.select %gt3A_704, %select_n3A_681, %select_n3A_710 : vector<16xi1>, vector<16xi32>
      %select_n3A_712 = arith.select %gt3A_704, %get3A_698, %select_n3A_678 : vector<16xi1>, vector<16xf32>
      %jit3A_713 = arith.constant 19 : i32
      %broadcast_in_dim3A_714 = vector.broadcast %jit3A_713 : i32 to vector<16xi32>
      %select_n3A_715 = arith.select %gt3A_704, %broadcast_in_dim3A_714, %select_n3A_681 : vector<16xi1>, vector<16xi32>
      %gt3A_716 = arith.cmpf ogt, %get3A_703, %select_n3A_690 : vector<16xf32>
      %gt3A_717 = arith.cmpf ogt, %get3A_703, %select_n3A_685 : vector<16xf32>
      %select_n3A_718 = arith.select %gt3A_717, %get3A_703, %select_n3A_685 : vector<16xi1>, vector<16xf32>
      %select_n3A_719 = arith.select %gt3A_716, %select_n3A_690, %select_n3A_718 : vector<16xi1>, vector<16xf32>
      %jit3A_720 = arith.constant 51 : i32
      %broadcast_in_dim3A_721 = vector.broadcast %jit3A_720 : i32 to vector<16xi32>
      %select_n3A_722 = arith.select %gt3A_717, %broadcast_in_dim3A_721, %select_n3A_689 : vector<16xi1>, vector<16xi32>
      %select_n3A_723 = arith.select %gt3A_716, %select_n3A_693, %select_n3A_722 : vector<16xi1>, vector<16xi32>
      %select_n3A_724 = arith.select %gt3A_716, %get3A_703, %select_n3A_690 : vector<16xi1>, vector<16xf32>
      %jit3A_725 = arith.constant 51 : i32
      %broadcast_in_dim3A_726 = vector.broadcast %jit3A_725 : i32 to vector<16xi32>
      %select_n3A_727 = arith.select %gt3A_716, %broadcast_in_dim3A_726, %select_n3A_693 : vector<16xi1>, vector<16xi32>
      %get3A_728 = arith.constant 20 : i32
      %get3A_729 = arith.index_cast %get3A_728 : i32 to index
      %get3A_730 = arith.index_cast %multiple_of3A : i32 to index
      %get3A_731 = tpu.vector_load %arg5[%get3A_729, %get3A_730] {strides = array<i32>} : memref<64x512xf32, #tpu.memory_space<vmem>>, vector<1x16xf32>,
      %get3A_732 = vector.shape_cast %get3A_731 : vector<1x16xf32> to vector<16xf32>
      %get3A_733 = arith.constant 52 : i32
      %get3A_734 = arith.index_cast %get3A_733 : i32 to index
      %get3A_735 = arith.index_cast %multiple_of3A : i32 to index
      %get3A_736 = tpu.vector_load %arg5[%get3A_734, %get3A_735] {strides = array<i32>} : memref<64x512xf32, #tpu.memory_space<vmem>>, vector<1x16xf32>,
      %get3A_737 = vector.shape_cast %get3A_736 : vector<1x16xf32> to vector<16xf32>
      %gt3A_738 = arith.cmpf ogt, %get3A_732, %select_n3A_712 : vector<16xf32>
      %gt3A_739 = arith.cmpf ogt, %get3A_732, %select_n3A_707 : vector<16xf32>
      %select_n3A_740 = arith.select %gt3A_739, %get3A_732, %select_n3A_707 : vector<16xi1>, vector<16xf32>
      %select_n3A_741 = arith.select %gt3A_738, %select_n3A_712, %select_n3A_740 : vector<16xi1>, vector<16xf32>
      %jit3A_742 = arith.constant 20 : i32
      %broadcast_in_dim3A_743 = vector.broadcast %jit3A_742 : i32 to vector<16xi32>
      %select_n3A_744 = arith.select %gt3A_739, %broadcast_in_dim3A_743, %select_n3A_711 : vector<16xi1>, vector<16xi32>
      %select_n3A_745 = arith.select %gt3A_738, %select_n3A_715, %select_n3A_744 : vector<16xi1>, vector<16xi32>
      %select_n3A_746 = arith.select %gt3A_738, %get3A_732, %select_n3A_712 : vector<16xi1>, vector<16xf32>
      %jit3A_747 = arith.constant 20 : i32
      %broadcast_in_dim3A_748 = vector.broadcast %jit3A_747 : i32 to vector<16xi32>
      %select_n3A_749 = arith.select %gt3A_738, %broadcast_in_dim3A_748, %select_n3A_715 : vector<16xi1>, vector<16xi32>
      %gt3A_750 = arith.cmpf ogt, %get3A_737, %select_n3A_724 : vector<16xf32>
      %gt3A_751 = arith.cmpf ogt, %get3A_737, %select_n3A_719 : vector<16xf32>
      %select_n3A_752 = arith.select %gt3A_751, %get3A_737, %select_n3A_719 : vector<16xi1>, vector<16xf32>
      %select_n3A_753 = arith.select %gt3A_750, %select_n3A_724, %select_n3A_752 : vector<16xi1>, vector<16xf32>
      %jit3A_754 = arith.constant 52 : i32
      %broadcast_in_dim3A_755 = vector.broadcast %jit3A_754 : i32 to vector<16xi32>
      %select_n3A_756 = arith.select %gt3A_751, %broadcast_in_dim3A_755, %select_n3A_723 : vector<16xi1>, vector<16xi32>
      %select_n3A_757 = arith.select %gt3A_750, %select_n3A_727, %select_n3A_756 : vector<16xi1>, vector<16xi32>
      %select_n3A_758 = arith.select %gt3A_750, %get3A_737, %select_n3A_724 : vector<16xi1>, vector<16xf32>
      %jit3A_759 = arith.constant 52 : i32
      %broadcast_in_dim3A_760 = vector.broadcast %jit3A_759 : i32 to vector<16xi32>
      %select_n3A_761 = arith.select %gt3A_750, %broadcast_in_dim3A_760, %select_n3A_727 : vector<16xi1>, vector<16xi32>
      %get3A_762 = arith.constant 21 : i32
      %get3A_763 = arith.index_cast %get3A_762 : i32 to index
      %get3A_764 = arith.index_cast %multiple_of3A : i32 to index
      %get3A_765 = tpu.vector_load %arg5[%get3A_763, %get3A_764] {strides = array<i32>} : memref<64x512xf32, #tpu.memory_space<vmem>>, vector<1x16xf32>,
      %get3A_766 = vector.shape_cast %get3A_765 : vector<1x16xf32> to vector<16xf32>
      %get3A_767 = arith.constant 53 : i32
      %get3A_768 = arith.index_cast %get3A_767 : i32 to index
      %get3A_769 = arith.index_cast %multiple_of3A : i32 to index
      %get3A_770 = tpu.vector_load %arg5[%get3A_768, %get3A_769] {strides = array<i32>} : memref<64x512xf32, #tpu.memory_space<vmem>>, vector<1x16xf32>,
      %get3A_771 = vector.shape_cast %get3A_770 : vector<1x16xf32> to vector<16xf32>
      %gt3A_772 = arith.cmpf ogt, %get3A_766, %select_n3A_746 : vector<16xf32>
      %gt3A_773 = arith.cmpf ogt, %get3A_766, %select_n3A_741 : vector<16xf32>
      %select_n3A_774 = arith.select %gt3A_773, %get3A_766, %select_n3A_741 : vector<16xi1>, vector<16xf32>
      %select_n3A_775 = arith.select %gt3A_772, %select_n3A_746, %select_n3A_774 : vector<16xi1>, vector<16xf32>
      %jit3A_776 = arith.constant 21 : i32
      %broadcast_in_dim3A_777 = vector.broadcast %jit3A_776 : i32 to vector<16xi32>
      %select_n3A_778 = arith.select %gt3A_773, %broadcast_in_dim3A_777, %select_n3A_745 : vector<16xi1>, vector<16xi32>
      %select_n3A_779 = arith.select %gt3A_772, %select_n3A_749, %select_n3A_778 : vector<16xi1>, vector<16xi32>
      %select_n3A_780 = arith.select %gt3A_772, %get3A_766, %select_n3A_746 : vector<16xi1>, vector<16xf32>
      %jit3A_781 = arith.constant 21 : i32
      %broadcast_in_dim3A_782 = vector.broadcast %jit3A_781 : i32 to vector<16xi32>
      %select_n3A_783 = arith.select %gt3A_772, %broadcast_in_dim3A_782, %select_n3A_749 : vector<16xi1>, vector<16xi32>
      %gt3A_784 = arith.cmpf ogt, %get3A_771, %select_n3A_758 : vector<16xf32>
      %gt3A_785 = arith.cmpf ogt, %get3A_771, %select_n3A_753 : vector<16xf32>
      %select_n3A_786 = arith.select %gt3A_785, %get3A_771, %select_n3A_753 : vector<16xi1>, vector<16xf32>
      %select_n3A_787 = arith.select %gt3A_784, %select_n3A_758, %select_n3A_786 : vector<16xi1>, vector<16xf32>
      %jit3A_788 = arith.constant 53 : i32
      %broadcast_in_dim3A_789 = vector.broadcast %jit3A_788 : i32 to vector<16xi32>
      %select_n3A_790 = arith.select %gt3A_785, %broadcast_in_dim3A_789, %select_n3A_757 : vector<16xi1>, vector<16xi32>
      %select_n3A_791 = arith.select %gt3A_784, %select_n3A_761, %select_n3A_790 : vector<16xi1>, vector<16xi32>
      %select_n3A_792 = arith.select %gt3A_784, %get3A_771, %select_n3A_758 : vector<16xi1>, vector<16xf32>
      %jit3A_793 = arith.constant 53 : i32
      %broadcast_in_dim3A_794 = vector.broadcast %jit3A_793 : i32 to vector<16xi32>
      %select_n3A_795 = arith.select %gt3A_784, %broadcast_in_dim3A_794, %select_n3A_761 : vector<16xi1>, vector<16xi32>
      %get3A_796 = arith.constant 22 : i32
      %get3A_797 = arith.index_cast %get3A_796 : i32 to index
      %get3A_798 = arith.index_cast %multiple_of3A : i32 to index
      %get3A_799 = tpu.vector_load %arg5[%get3A_797, %get3A_798] {strides = array<i32>} : memref<64x512xf32, #tpu.memory_space<vmem>>, vector<1x16xf32>,
      %get3A_800 = vector.shape_cast %get3A_799 : vector<1x16xf32> to vector<16xf32>
      %get3A_801 = arith.constant 54 : i32
      %get3A_802 = arith.index_cast %get3A_801 : i32 to index
      %get3A_803 = arith.index_cast %multiple_of3A : i32 to index
      %get3A_804 = tpu.vector_load %arg5[%get3A_802, %get3A_803] {strides = array<i32>} : memref<64x512xf32, #tpu.memory_space<vmem>>, vector<1x16xf32>,
      %get3A_805 = vector.shape_cast %get3A_804 : vector<1x16xf32> to vector<16xf32>
      %gt3A_806 = arith.cmpf ogt, %get3A_800, %select_n3A_780 : vector<16xf32>
      %gt3A_807 = arith.cmpf ogt, %get3A_800, %select_n3A_775 : vector<16xf32>
      %select_n3A_808 = arith.select %gt3A_807, %get3A_800, %select_n3A_775 : vector<16xi1>, vector<16xf32>
      %select_n3A_809 = arith.select %gt3A_806, %select_n3A_780, %select_n3A_808 : vector<16xi1>, vector<16xf32>
      %jit3A_810 = arith.constant 22 : i32
      %broadcast_in_dim3A_811 = vector.broadcast %jit3A_810 : i32 to vector<16xi32>
      %select_n3A_812 = arith.select %gt3A_807, %broadcast_in_dim3A_811, %select_n3A_779 : vector<16xi1>, vector<16xi32>
      %select_n3A_813 = arith.select %gt3A_806, %select_n3A_783, %select_n3A_812 : vector<16xi1>, vector<16xi32>
      %select_n3A_814 = arith.select %gt3A_806, %get3A_800, %select_n3A_780 : vector<16xi1>, vector<16xf32>
      %jit3A_815 = arith.constant 22 : i32
      %broadcast_in_dim3A_816 = vector.broadcast %jit3A_815 : i32 to vector<16xi32>
      %select_n3A_817 = arith.select %gt3A_806, %broadcast_in_dim3A_816, %select_n3A_783 : vector<16xi1>, vector<16xi32>
      %gt3A_818 = arith.cmpf ogt, %get3A_805, %select_n3A_792 : vector<16xf32>
      %gt3A_819 = arith.cmpf ogt, %get3A_805, %select_n3A_787 : vector<16xf32>
      %select_n3A_820 = arith.select %gt3A_819, %get3A_805, %select_n3A_787 : vector<16xi1>, vector<16xf32>
      %select_n3A_821 = arith.select %gt3A_818, %select_n3A_792, %select_n3A_820 : vector<16xi1>, vector<16xf32>
      %jit3A_822 = arith.constant 54 : i32
      %broadcast_in_dim3A_823 = vector.broadcast %jit3A_822 : i32 to vector<16xi32>
      %select_n3A_824 = arith.select %gt3A_819, %broadcast_in_dim3A_823, %select_n3A_791 : vector<16xi1>, vector<16xi32>
      %select_n3A_825 = arith.select %gt3A_818, %select_n3A_795, %select_n3A_824 : vector<16xi1>, vector<16xi32>
      %select_n3A_826 = arith.select %gt3A_818, %get3A_805, %select_n3A_792 : vector<16xi1>, vector<16xf32>
      %jit3A_827 = arith.constant 54 : i32
      %broadcast_in_dim3A_828 = vector.broadcast %jit3A_827 : i32 to vector<16xi32>
      %select_n3A_829 = arith.select %gt3A_818, %broadcast_in_dim3A_828, %select_n3A_795 : vector<16xi1>, vector<16xi32>
      %get3A_830 = arith.constant 23 : i32
      %get3A_831 = arith.index_cast %get3A_830 : i32 to index
      %get3A_832 = arith.index_cast %multiple_of3A : i32 to index
      %get3A_833 = tpu.vector_load %arg5[%get3A_831, %get3A_832] {strides = array<i32>} : memref<64x512xf32, #tpu.memory_space<vmem>>, vector<1x16xf32>,
      %get3A_834 = vector.shape_cast %get3A_833 : vector<1x16xf32> to vector<16xf32>
      %get3A_835 = arith.constant 55 : i32
      %get3A_836 = arith.index_cast %get3A_835 : i32 to index
      %get3A_837 = arith.index_cast %multiple_of3A : i32 to index
      %get3A_838 = tpu.vector_load %arg5[%get3A_836, %get3A_837] {strides = array<i32>} : memref<64x512xf32, #tpu.memory_space<vmem>>, vector<1x16xf32>,
      %get3A_839 = vector.shape_cast %get3A_838 : vector<1x16xf32> to vector<16xf32>
      %gt3A_840 = arith.cmpf ogt, %get3A_834, %select_n3A_814 : vector<16xf32>
      %gt3A_841 = arith.cmpf ogt, %get3A_834, %select_n3A_809 : vector<16xf32>
      %select_n3A_842 = arith.select %gt3A_841, %get3A_834, %select_n3A_809 : vector<16xi1>, vector<16xf32>
      %select_n3A_843 = arith.select %gt3A_840, %select_n3A_814, %select_n3A_842 : vector<16xi1>, vector<16xf32>
      %jit3A_844 = arith.constant 23 : i32
      %broadcast_in_dim3A_845 = vector.broadcast %jit3A_844 : i32 to vector<16xi32>
      %select_n3A_846 = arith.select %gt3A_841, %broadcast_in_dim3A_845, %select_n3A_813 : vector<16xi1>, vector<16xi32>
      %select_n3A_847 = arith.select %gt3A_840, %select_n3A_817, %select_n3A_846 : vector<16xi1>, vector<16xi32>
      %select_n3A_848 = arith.select %gt3A_840, %get3A_834, %select_n3A_814 : vector<16xi1>, vector<16xf32>
      %jit3A_849 = arith.constant 23 : i32
      %broadcast_in_dim3A_850 = vector.broadcast %jit3A_849 : i32 to vector<16xi32>
      %select_n3A_851 = arith.select %gt3A_840, %broadcast_in_dim3A_850, %select_n3A_817 : vector<16xi1>, vector<16xi32>
      %gt3A_852 = arith.cmpf ogt, %get3A_839, %select_n3A_826 : vector<16xf32>
      %gt3A_853 = arith.cmpf ogt, %get3A_839, %select_n3A_821 : vector<16xf32>
      %select_n3A_854 = arith.select %gt3A_853, %get3A_839, %select_n3A_821 : vector<16xi1>, vector<16xf32>
      %select_n3A_855 = arith.select %gt3A_852, %select_n3A_826, %select_n3A_854 : vector<16xi1>, vector<16xf32>
      %jit3A_856 = arith.constant 55 : i32
      %broadcast_in_dim3A_857 = vector.broadcast %jit3A_856 : i32 to vector<16xi32>
      %select_n3A_858 = arith.select %gt3A_853, %broadcast_in_dim3A_857, %select_n3A_825 : vector<16xi1>, vector<16xi32>
      %select_n3A_859 = arith.select %gt3A_852, %select_n3A_829, %select_n3A_858 : vector<16xi1>, vector<16xi32>
      %select_n3A_860 = arith.select %gt3A_852, %get3A_839, %select_n3A_826 : vector<16xi1>, vector<16xf32>
      %jit3A_861 = arith.constant 55 : i32
      %broadcast_in_dim3A_862 = vector.broadcast %jit3A_861 : i32 to vector<16xi32>
      %select_n3A_863 = arith.select %gt3A_852, %broadcast_in_dim3A_862, %select_n3A_829 : vector<16xi1>, vector<16xi32>
      %get3A_864 = arith.constant 24 : i32
      %get3A_865 = arith.index_cast %get3A_864 : i32 to index
      %get3A_866 = arith.index_cast %multiple_of3A : i32 to index
      %get3A_867 = tpu.vector_load %arg5[%get3A_865, %get3A_866] {strides = array<i32>} : memref<64x512xf32, #tpu.memory_space<vmem>>, vector<1x16xf32>,
      %get3A_868 = vector.shape_cast %get3A_867 : vector<1x16xf32> to vector<16xf32>
      %get3A_869 = arith.constant 56 : i32
      %get3A_870 = arith.index_cast %get3A_869 : i32 to index
      %get3A_871 = arith.index_cast %multiple_of3A : i32 to index
      %get3A_872 = tpu.vector_load %arg5[%get3A_870, %get3A_871] {strides = array<i32>} : memref<64x512xf32, #tpu.memory_space<vmem>>, vector<1x16xf32>,
      %get3A_873 = vector.shape_cast %get3A_872 : vector<1x16xf32> to vector<16xf32>
      %gt3A_874 = arith.cmpf ogt, %get3A_868, %select_n3A_848 : vector<16xf32>
      %gt3A_875 = arith.cmpf ogt, %get3A_868, %select_n3A_843 : vector<16xf32>
      %select_n3A_876 = arith.select %gt3A_875, %get3A_868, %select_n3A_843 : vector<16xi1>, vector<16xf32>
      %select_n3A_877 = arith.select %gt3A_874, %select_n3A_848, %select_n3A_876 : vector<16xi1>, vector<16xf32>
      %jit3A_878 = arith.constant 24 : i32
      %broadcast_in_dim3A_879 = vector.broadcast %jit3A_878 : i32 to vector<16xi32>
      %select_n3A_880 = arith.select %gt3A_875, %broadcast_in_dim3A_879, %select_n3A_847 : vector<16xi1>, vector<16xi32>
      %select_n3A_881 = arith.select %gt3A_874, %select_n3A_851, %select_n3A_880 : vector<16xi1>, vector<16xi32>
      %select_n3A_882 = arith.select %gt3A_874, %get3A_868, %select_n3A_848 : vector<16xi1>, vector<16xf32>
      %jit3A_883 = arith.constant 24 : i32
      %broadcast_in_dim3A_884 = vector.broadcast %jit3A_883 : i32 to vector<16xi32>
      %select_n3A_885 = arith.select %gt3A_874, %broadcast_in_dim3A_884, %select_n3A_851 : vector<16xi1>, vector<16xi32>
      %gt3A_886 = arith.cmpf ogt, %get3A_873, %select_n3A_860 : vector<16xf32>
      %gt3A_887 = arith.cmpf ogt, %get3A_873, %select_n3A_855 : vector<16xf32>
      %select_n3A_888 = arith.select %gt3A_887, %get3A_873, %select_n3A_855 : vector<16xi1>, vector<16xf32>
      %select_n3A_889 = arith.select %gt3A_886, %select_n3A_860, %select_n3A_888 : vector<16xi1>, vector<16xf32>
      %jit3A_890 = arith.constant 56 : i32
      %broadcast_in_dim3A_891 = vector.broadcast %jit3A_890 : i32 to vector<16xi32>
      %select_n3A_892 = arith.select %gt3A_887, %broadcast_in_dim3A_891, %select_n3A_859 : vector<16xi1>, vector<16xi32>
      %select_n3A_893 = arith.select %gt3A_886, %select_n3A_863, %select_n3A_892 : vector<16xi1>, vector<16xi32>
      %select_n3A_894 = arith.select %gt3A_886, %get3A_873, %select_n3A_860 : vector<16xi1>, vector<16xf32>
      %jit3A_895 = arith.constant 56 : i32
      %broadcast_in_dim3A_896 = vector.broadcast %jit3A_895 : i32 to vector<16xi32>
      %select_n3A_897 = arith.select %gt3A_886, %broadcast_in_dim3A_896, %select_n3A_863 : vector<16xi1>, vector<16xi32>
      %get3A_898 = arith.constant 25 : i32
      %get3A_899 = arith.index_cast %get3A_898 : i32 to index
      %get3A_900 = arith.index_cast %multiple_of3A : i32 to index
      %get3A_901 = tpu.vector_load %arg5[%get3A_899, %get3A_900] {strides = array<i32>} : memref<64x512xf32, #tpu.memory_space<vmem>>, vector<1x16xf32>,
      %get3A_902 = vector.shape_cast %get3A_901 : vector<1x16xf32> to vector<16xf32>
      %get3A_903 = arith.constant 57 : i32
      %get3A_904 = arith.index_cast %get3A_903 : i32 to index
      %get3A_905 = arith.index_cast %multiple_of3A : i32 to index
      %get3A_906 = tpu.vector_load %arg5[%get3A_904, %get3A_905] {strides = array<i32>} : memref<64x512xf32, #tpu.memory_space<vmem>>, vector<1x16xf32>,
      %get3A_907 = vector.shape_cast %get3A_906 : vector<1x16xf32> to vector<16xf32>
      %gt3A_908 = arith.cmpf ogt, %get3A_902, %select_n3A_882 : vector<16xf32>
      %gt3A_909 = arith.cmpf ogt, %get3A_902, %select_n3A_877 : vector<16xf32>
      %select_n3A_910 = arith.select %gt3A_909, %get3A_902, %select_n3A_877 : vector<16xi1>, vector<16xf32>
      %select_n3A_911 = arith.select %gt3A_908, %select_n3A_882, %select_n3A_910 : vector<16xi1>, vector<16xf32>
      %jit3A_912 = arith.constant 25 : i32
      %broadcast_in_dim3A_913 = vector.broadcast %jit3A_912 : i32 to vector<16xi32>
      %select_n3A_914 = arith.select %gt3A_909, %broadcast_in_dim3A_913, %select_n3A_881 : vector<16xi1>, vector<16xi32>
      %select_n3A_915 = arith.select %gt3A_908, %select_n3A_885, %select_n3A_914 : vector<16xi1>, vector<16xi32>
      %select_n3A_916 = arith.select %gt3A_908, %get3A_902, %select_n3A_882 : vector<16xi1>, vector<16xf32>
      %jit3A_917 = arith.constant 25 : i32
      %broadcast_in_dim3A_918 = vector.broadcast %jit3A_917 : i32 to vector<16xi32>
      %select_n3A_919 = arith.select %gt3A_908, %broadcast_in_dim3A_918, %select_n3A_885 : vector<16xi1>, vector<16xi32>
      %gt3A_920 = arith.cmpf ogt, %get3A_907, %select_n3A_894 : vector<16xf32>
      %gt3A_921 = arith.cmpf ogt, %get3A_907, %select_n3A_889 : vector<16xf32>
      %select_n3A_922 = arith.select %gt3A_921, %get3A_907, %select_n3A_889 : vector<16xi1>, vector<16xf32>
      %select_n3A_923 = arith.select %gt3A_920, %select_n3A_894, %select_n3A_922 : vector<16xi1>, vector<16xf32>
      %jit3A_924 = arith.constant 57 : i32
      %broadcast_in_dim3A_925 = vector.broadcast %jit3A_924 : i32 to vector<16xi32>
      %select_n3A_926 = arith.select %gt3A_921, %broadcast_in_dim3A_925, %select_n3A_893 : vector<16xi1>, vector<16xi32>
      %select_n3A_927 = arith.select %gt3A_920, %select_n3A_897, %select_n3A_926 : vector<16xi1>, vector<16xi32>
      %select_n3A_928 = arith.select %gt3A_920, %get3A_907, %select_n3A_894 : vector<16xi1>, vector<16xf32>
      %jit3A_929 = arith.constant 57 : i32
      %broadcast_in_dim3A_930 = vector.broadcast %jit3A_929 : i32 to vector<16xi32>
      %select_n3A_931 = arith.select %gt3A_920, %broadcast_in_dim3A_930, %select_n3A_897 : vector<16xi1>, vector<16xi32>
      %get3A_932 = arith.constant 26 : i32
      %get3A_933 = arith.index_cast %get3A_932 : i32 to index
      %get3A_934 = arith.index_cast %multiple_of3A : i32 to index
      %get3A_935 = tpu.vector_load %arg5[%get3A_933, %get3A_934] {strides = array<i32>} : memref<64x512xf32, #tpu.memory_space<vmem>>, vector<1x16xf32>,
      %get3A_936 = vector.shape_cast %get3A_935 : vector<1x16xf32> to vector<16xf32>
      %get3A_937 = arith.constant 58 : i32
      %get3A_938 = arith.index_cast %get3A_937 : i32 to index
      %get3A_939 = arith.index_cast %multiple_of3A : i32 to index
      %get3A_940 = tpu.vector_load %arg5[%get3A_938, %get3A_939] {strides = array<i32>} : memref<64x512xf32, #tpu.memory_space<vmem>>, vector<1x16xf32>,
      %get3A_941 = vector.shape_cast %get3A_940 : vector<1x16xf32> to vector<16xf32>
      %gt3A_942 = arith.cmpf ogt, %get3A_936, %select_n3A_916 : vector<16xf32>
      %gt3A_943 = arith.cmpf ogt, %get3A_936, %select_n3A_911 : vector<16xf32>
      %select_n3A_944 = arith.select %gt3A_943, %get3A_936, %select_n3A_911 : vector<16xi1>, vector<16xf32>
      %select_n3A_945 = arith.select %gt3A_942, %select_n3A_916, %select_n3A_944 : vector<16xi1>, vector<16xf32>
      %jit3A_946 = arith.constant 26 : i32
      %broadcast_in_dim3A_947 = vector.broadcast %jit3A_946 : i32 to vector<16xi32>
      %select_n3A_948 = arith.select %gt3A_943, %broadcast_in_dim3A_947, %select_n3A_915 : vector<16xi1>, vector<16xi32>
      %select_n3A_949 = arith.select %gt3A_942, %select_n3A_919, %select_n3A_948 : vector<16xi1>, vector<16xi32>
      %select_n3A_950 = arith.select %gt3A_942, %get3A_936, %select_n3A_916 : vector<16xi1>, vector<16xf32>
      %jit3A_951 = arith.constant 26 : i32
      %broadcast_in_dim3A_952 = vector.broadcast %jit3A_951 : i32 to vector<16xi32>
      %select_n3A_953 = arith.select %gt3A_942, %broadcast_in_dim3A_952, %select_n3A_919 : vector<16xi1>, vector<16xi32>
      %gt3A_954 = arith.cmpf ogt, %get3A_941, %select_n3A_928 : vector<16xf32>
      %gt3A_955 = arith.cmpf ogt, %get3A_941, %select_n3A_923 : vector<16xf32>
      %select_n3A_956 = arith.select %gt3A_955, %get3A_941, %select_n3A_923 : vector<16xi1>, vector<16xf32>
      %select_n3A_957 = arith.select %gt3A_954, %select_n3A_928, %select_n3A_956 : vector<16xi1>, vector<16xf32>
      %jit3A_958 = arith.constant 58 : i32
      %broadcast_in_dim3A_959 = vector.broadcast %jit3A_958 : i32 to vector<16xi32>
      %select_n3A_960 = arith.select %gt3A_955, %broadcast_in_dim3A_959, %select_n3A_927 : vector<16xi1>, vector<16xi32>
      %select_n3A_961 = arith.select %gt3A_954, %select_n3A_931, %select_n3A_960 : vector<16xi1>, vector<16xi32>
      %select_n3A_962 = arith.select %gt3A_954, %get3A_941, %select_n3A_928 : vector<16xi1>, vector<16xf32>
      %jit3A_963 = arith.constant 58 : i32
      %broadcast_in_dim3A_964 = vector.broadcast %jit3A_963 : i32 to vector<16xi32>
      %select_n3A_965 = arith.select %gt3A_954, %broadcast_in_dim3A_964, %select_n3A_931 : vector<16xi1>, vector<16xi32>
      %get3A_966 = arith.constant 27 : i32
      %get3A_967 = arith.index_cast %get3A_966 : i32 to index
      %get3A_968 = arith.index_cast %multiple_of3A : i32 to index
      %get3A_969 = tpu.vector_load %arg5[%get3A_967, %get3A_968] {strides = array<i32>} : memref<64x512xf32, #tpu.memory_space<vmem>>, vector<1x16xf32>,
      %get3A_970 = vector.shape_cast %get3A_969 : vector<1x16xf32> to vector<16xf32>
      %get3A_971 = arith.constant 59 : i32
      %get3A_972 = arith.index_cast %get3A_971 : i32 to index
      %get3A_973 = arith.index_cast %multiple_of3A : i32 to index
      %get3A_974 = tpu.vector_load %arg5[%get3A_972, %get3A_973] {strides = array<i32>} : memref<64x512xf32, #tpu.memory_space<vmem>>, vector<1x16xf32>,
      %get3A_975 = vector.shape_cast %get3A_974 : vector<1x16xf32> to vector<16xf32>
      %gt3A_976 = arith.cmpf ogt, %get3A_970, %select_n3A_950 : vector<16xf32>
      %gt3A_977 = arith.cmpf ogt, %get3A_970, %select_n3A_945 : vector<16xf32>
      %select_n3A_978 = arith.select %gt3A_977, %get3A_970, %select_n3A_945 : vector<16xi1>, vector<16xf32>
      %select_n3A_979 = arith.select %gt3A_976, %select_n3A_950, %select_n3A_978 : vector<16xi1>, vector<16xf32>
      %jit3A_980 = arith.constant 27 : i32
      %broadcast_in_dim3A_981 = vector.broadcast %jit3A_980 : i32 to vector<16xi32>
      %select_n3A_982 = arith.select %gt3A_977, %broadcast_in_dim3A_981, %select_n3A_949 : vector<16xi1>, vector<16xi32>
      %select_n3A_983 = arith.select %gt3A_976, %select_n3A_953, %select_n3A_982 : vector<16xi1>, vector<16xi32>
      %select_n3A_984 = arith.select %gt3A_976, %get3A_970, %select_n3A_950 : vector<16xi1>, vector<16xf32>
      %jit3A_985 = arith.constant 27 : i32
      %broadcast_in_dim3A_986 = vector.broadcast %jit3A_985 : i32 to vector<16xi32>
      %select_n3A_987 = arith.select %gt3A_976, %broadcast_in_dim3A_986, %select_n3A_953 : vector<16xi1>, vector<16xi32>
      %gt3A_988 = arith.cmpf ogt, %get3A_975, %select_n3A_962 : vector<16xf32>
      %gt3A_989 = arith.cmpf ogt, %get3A_975, %select_n3A_957 : vector<16xf32>
      %select_n3A_990 = arith.select %gt3A_989, %get3A_975, %select_n3A_957 : vector<16xi1>, vector<16xf32>
      %select_n3A_991 = arith.select %gt3A_988, %select_n3A_962, %select_n3A_990 : vector<16xi1>, vector<16xf32>
      %jit3A_992 = arith.constant 59 : i32
      %broadcast_in_dim3A_993 = vector.broadcast %jit3A_992 : i32 to vector<16xi32>
      %select_n3A_994 = arith.select %gt3A_989, %broadcast_in_dim3A_993, %select_n3A_961 : vector<16xi1>, vector<16xi32>
      %select_n3A_995 = arith.select %gt3A_988, %select_n3A_965, %select_n3A_994 : vector<16xi1>, vector<16xi32>
      %select_n3A_996 = arith.select %gt3A_988, %get3A_975, %select_n3A_962 : vector<16xi1>, vector<16xf32>
      %jit3A_997 = arith.constant 59 : i32
      %broadcast_in_dim3A_998 = vector.broadcast %jit3A_997 : i32 to vector<16xi32>
      %select_n3A_999 = arith.select %gt3A_988, %broadcast_in_dim3A_998, %select_n3A_965 : vector<16xi1>, vector<16xi32>
      %get3A_1000 = arith.constant 28 : i32
      %get3A_1001 = arith.index_cast %get3A_1000 : i32 to index
      %get3A_1002 = arith.index_cast %multiple_of3A : i32 to index
      %get3A_1003 = tpu.vector_load %arg5[%get3A_1001, %get3A_1002] {strides = array<i32>} : memref<64x512xf32, #tpu.memory_space<vmem>>, vector<1x16xf32>,
      %get3A_1004 = vector.shape_cast %get3A_1003 : vector<1x16xf32> to vector<16xf32>
      %get3A_1005 = arith.constant 60 : i32
      %get3A_1006 = arith.index_cast %get3A_1005 : i32 to index
      %get3A_1007 = arith.index_cast %multiple_of3A : i32 to index
      %get3A_1008 = tpu.vector_load %arg5[%get3A_1006, %get3A_1007] {strides = array<i32>} : memref<64x512xf32, #tpu.memory_space<vmem>>, vector<1x16xf32>,
      %get3A_1009 = vector.shape_cast %get3A_1008 : vector<1x16xf32> to vector<16xf32>
      %gt3A_1010 = arith.cmpf ogt, %get3A_1004, %select_n3A_984 : vector<16xf32>
      %gt3A_1011 = arith.cmpf ogt, %get3A_1004, %select_n3A_979 : vector<16xf32>
      %select_n3A_1012 = arith.select %gt3A_1011, %get3A_1004, %select_n3A_979 : vector<16xi1>, vector<16xf32>
      %select_n3A_1013 = arith.select %gt3A_1010, %select_n3A_984, %select_n3A_1012 : vector<16xi1>, vector<16xf32>
      %jit3A_1014 = arith.constant 28 : i32
      %broadcast_in_dim3A_1015 = vector.broadcast %jit3A_1014 : i32 to vector<16xi32>
      %select_n3A_1016 = arith.select %gt3A_1011, %broadcast_in_dim3A_1015, %select_n3A_983 : vector<16xi1>, vector<16xi32>
      %select_n3A_1017 = arith.select %gt3A_1010, %select_n3A_987, %select_n3A_1016 : vector<16xi1>, vector<16xi32>
      %select_n3A_1018 = arith.select %gt3A_1010, %get3A_1004, %select_n3A_984 : vector<16xi1>, vector<16xf32>
      %jit3A_1019 = arith.constant 28 : i32
      %broadcast_in_dim3A_1020 = vector.broadcast %jit3A_1019 : i32 to vector<16xi32>
      %select_n3A_1021 = arith.select %gt3A_1010, %broadcast_in_dim3A_1020, %select_n3A_987 : vector<16xi1>, vector<16xi32>
      %gt3A_1022 = arith.cmpf ogt, %get3A_1009, %select_n3A_996 : vector<16xf32>
      %gt3A_1023 = arith.cmpf ogt, %get3A_1009, %select_n3A_991 : vector<16xf32>
      %select_n3A_1024 = arith.select %gt3A_1023, %get3A_1009, %select_n3A_991 : vector<16xi1>, vector<16xf32>
      %select_n3A_1025 = arith.select %gt3A_1022, %select_n3A_996, %select_n3A_1024 : vector<16xi1>, vector<16xf32>
      %jit3A_1026 = arith.constant 60 : i32
      %broadcast_in_dim3A_1027 = vector.broadcast %jit3A_1026 : i32 to vector<16xi32>
      %select_n3A_1028 = arith.select %gt3A_1023, %broadcast_in_dim3A_1027, %select_n3A_995 : vector<16xi1>, vector<16xi32>
      %select_n3A_1029 = arith.select %gt3A_1022, %select_n3A_999, %select_n3A_1028 : vector<16xi1>, vector<16xi32>
      %select_n3A_1030 = arith.select %gt3A_1022, %get3A_1009, %select_n3A_996 : vector<16xi1>, vector<16xf32>
      %jit3A_1031 = arith.constant 60 : i32
      %broadcast_in_dim3A_1032 = vector.broadcast %jit3A_1031 : i32 to vector<16xi32>
      %select_n3A_1033 = arith.select %gt3A_1022, %broadcast_in_dim3A_1032, %select_n3A_999 : vector<16xi1>, vector<16xi32>
      %get3A_1034 = arith.constant 29 : i32
      %get3A_1035 = arith.index_cast %get3A_1034 : i32 to index
      %get3A_1036 = arith.index_cast %multiple_of3A : i32 to index
      %get3A_1037 = tpu.vector_load %arg5[%get3A_1035, %get3A_1036] {strides = array<i32>} : memref<64x512xf32, #tpu.memory_space<vmem>>, vector<1x16xf32>,
      %get3A_1038 = vector.shape_cast %get3A_1037 : vector<1x16xf32> to vector<16xf32>
      %get3A_1039 = arith.constant 61 : i32
      %get3A_1040 = arith.index_cast %get3A_1039 : i32 to index
      %get3A_1041 = arith.index_cast %multiple_of3A : i32 to index
      %get3A_1042 = tpu.vector_load %arg5[%get3A_1040, %get3A_1041] {strides = array<i32>} : memref<64x512xf32, #tpu.memory_space<vmem>>, vector<1x16xf32>,
      %get3A_1043 = vector.shape_cast %get3A_1042 : vector<1x16xf32> to vector<16xf32>
      %gt3A_1044 = arith.cmpf ogt, %get3A_1038, %select_n3A_1018 : vector<16xf32>
      %gt3A_1045 = arith.cmpf ogt, %get3A_1038, %select_n3A_1013 : vector<16xf32>
      %select_n3A_1046 = arith.select %gt3A_1045, %get3A_1038, %select_n3A_1013 : vector<16xi1>, vector<16xf32>
      %select_n3A_1047 = arith.select %gt3A_1044, %select_n3A_1018, %select_n3A_1046 : vector<16xi1>, vector<16xf32>
      %jit3A_1048 = arith.constant 29 : i32
      %broadcast_in_dim3A_1049 = vector.broadcast %jit3A_1048 : i32 to vector<16xi32>
      %select_n3A_1050 = arith.select %gt3A_1045, %broadcast_in_dim3A_1049, %select_n3A_1017 : vector<16xi1>, vector<16xi32>
      %select_n3A_1051 = arith.select %gt3A_1044, %select_n3A_1021, %select_n3A_1050 : vector<16xi1>, vector<16xi32>
      %select_n3A_1052 = arith.select %gt3A_1044, %get3A_1038, %select_n3A_1018 : vector<16xi1>, vector<16xf32>
      %jit3A_1053 = arith.constant 29 : i32
      %broadcast_in_dim3A_1054 = vector.broadcast %jit3A_1053 : i32 to vector<16xi32>
      %select_n3A_1055 = arith.select %gt3A_1044, %broadcast_in_dim3A_1054, %select_n3A_1021 : vector<16xi1>, vector<16xi32>
      %gt3A_1056 = arith.cmpf ogt, %get3A_1043, %select_n3A_1030 : vector<16xf32>
      %gt3A_1057 = arith.cmpf ogt, %get3A_1043, %select_n3A_1025 : vector<16xf32>
      %select_n3A_1058 = arith.select %gt3A_1057, %get3A_1043, %select_n3A_1025 : vector<16xi1>, vector<16xf32>
      %select_n3A_1059 = arith.select %gt3A_1056, %select_n3A_1030, %select_n3A_1058 : vector<16xi1>, vector<16xf32>
      %jit3A_1060 = arith.constant 61 : i32
      %broadcast_in_dim3A_1061 = vector.broadcast %jit3A_1060 : i32 to vector<16xi32>
      %select_n3A_1062 = arith.select %gt3A_1057, %broadcast_in_dim3A_1061, %select_n3A_1029 : vector<16xi1>, vector<16xi32>
      %select_n3A_1063 = arith.select %gt3A_1056, %select_n3A_1033, %select_n3A_1062 : vector<16xi1>, vector<16xi32>
      %select_n3A_1064 = arith.select %gt3A_1056, %get3A_1043, %select_n3A_1030 : vector<16xi1>, vector<16xf32>
      %jit3A_1065 = arith.constant 61 : i32
      %broadcast_in_dim3A_1066 = vector.broadcast %jit3A_1065 : i32 to vector<16xi32>
      %select_n3A_1067 = arith.select %gt3A_1056, %broadcast_in_dim3A_1066, %select_n3A_1033 : vector<16xi1>, vector<16xi32>
      %get3A_1068 = arith.constant 30 : i32
      %get3A_1069 = arith.index_cast %get3A_1068 : i32 to index
      %get3A_1070 = arith.index_cast %multiple_of3A : i32 to index
      %get3A_1071 = tpu.vector_load %arg5[%get3A_1069, %get3A_1070] {strides = array<i32>} : memref<64x512xf32, #tpu.memory_space<vmem>>, vector<1x16xf32>,
      %get3A_1072 = vector.shape_cast %get3A_1071 : vector<1x16xf32> to vector<16xf32>
      %get3A_1073 = arith.constant 62 : i32
      %get3A_1074 = arith.index_cast %get3A_1073 : i32 to index
      %get3A_1075 = arith.index_cast %multiple_of3A : i32 to index
      %get3A_1076 = tpu.vector_load %arg5[%get3A_1074, %get3A_1075] {strides = array<i32>} : memref<64x512xf32, #tpu.memory_space<vmem>>, vector<1x16xf32>,
      %get3A_1077 = vector.shape_cast %get3A_1076 : vector<1x16xf32> to vector<16xf32>
      %gt3A_1078 = arith.cmpf ogt, %get3A_1072, %select_n3A_1052 : vector<16xf32>
      %gt3A_1079 = arith.cmpf ogt, %get3A_1072, %select_n3A_1047 : vector<16xf32>
      %select_n3A_1080 = arith.select %gt3A_1079, %get3A_1072, %select_n3A_1047 : vector<16xi1>, vector<16xf32>
      %select_n3A_1081 = arith.select %gt3A_1078, %select_n3A_1052, %select_n3A_1080 : vector<16xi1>, vector<16xf32>
      %jit3A_1082 = arith.constant 30 : i32
      %broadcast_in_dim3A_1083 = vector.broadcast %jit3A_1082 : i32 to vector<16xi32>
      %select_n3A_1084 = arith.select %gt3A_1079, %broadcast_in_dim3A_1083, %select_n3A_1051 : vector<16xi1>, vector<16xi32>
      %select_n3A_1085 = arith.select %gt3A_1078, %select_n3A_1055, %select_n3A_1084 : vector<16xi1>, vector<16xi32>
      %select_n3A_1086 = arith.select %gt3A_1078, %get3A_1072, %select_n3A_1052 : vector<16xi1>, vector<16xf32>
      %jit3A_1087 = arith.constant 30 : i32
      %broadcast_in_dim3A_1088 = vector.broadcast %jit3A_1087 : i32 to vector<16xi32>
      %select_n3A_1089 = arith.select %gt3A_1078, %broadcast_in_dim3A_1088, %select_n3A_1055 : vector<16xi1>, vector<16xi32>
      %gt3A_1090 = arith.cmpf ogt, %get3A_1077, %select_n3A_1064 : vector<16xf32>
      %gt3A_1091 = arith.cmpf ogt, %get3A_1077, %select_n3A_1059 : vector<16xf32>
      %select_n3A_1092 = arith.select %gt3A_1091, %get3A_1077, %select_n3A_1059 : vector<16xi1>, vector<16xf32>
      %select_n3A_1093 = arith.select %gt3A_1090, %select_n3A_1064, %select_n3A_1092 : vector<16xi1>, vector<16xf32>
      %jit3A_1094 = arith.constant 62 : i32
      %broadcast_in_dim3A_1095 = vector.broadcast %jit3A_1094 : i32 to vector<16xi32>
      %select_n3A_1096 = arith.select %gt3A_1091, %broadcast_in_dim3A_1095, %select_n3A_1063 : vector<16xi1>, vector<16xi32>
      %select_n3A_1097 = arith.select %gt3A_1090, %select_n3A_1067, %select_n3A_1096 : vector<16xi1>, vector<16xi32>
      %select_n3A_1098 = arith.select %gt3A_1090, %get3A_1077, %select_n3A_1064 : vector<16xi1>, vector<16xf32>
      %jit3A_1099 = arith.constant 62 : i32
      %broadcast_in_dim3A_1100 = vector.broadcast %jit3A_1099 : i32 to vector<16xi32>
      %select_n3A_1101 = arith.select %gt3A_1090, %broadcast_in_dim3A_1100, %select_n3A_1067 : vector<16xi1>, vector<16xi32>
      %get3A_1102 = arith.constant 31 : i32
      %get3A_1103 = arith.index_cast %get3A_1102 : i32 to index
      %get3A_1104 = arith.index_cast %multiple_of3A : i32 to index
      %get3A_1105 = tpu.vector_load %arg5[%get3A_1103, %get3A_1104] {strides = array<i32>} : memref<64x512xf32, #tpu.memory_space<vmem>>, vector<1x16xf32>,
      %get3A_1106 = vector.shape_cast %get3A_1105 : vector<1x16xf32> to vector<16xf32>
      %get3A_1107 = arith.constant 63 : i32
      %get3A_1108 = arith.index_cast %get3A_1107 : i32 to index
      %get3A_1109 = arith.index_cast %multiple_of3A : i32 to index
      %get3A_1110 = tpu.vector_load %arg5[%get3A_1108, %get3A_1109] {strides = array<i32>} : memref<64x512xf32, #tpu.memory_space<vmem>>, vector<1x16xf32>,
      %get3A_1111 = vector.shape_cast %get3A_1110 : vector<1x16xf32> to vector<16xf32>
      %gt3A_1112 = arith.cmpf ogt, %get3A_1106, %select_n3A_1086 : vector<16xf32>
      %gt3A_1113 = arith.cmpf ogt, %get3A_1106, %select_n3A_1081 : vector<16xf32>
      %select_n3A_1114 = arith.select %gt3A_1113, %get3A_1106, %select_n3A_1081 : vector<16xi1>, vector<16xf32>
      %select_n3A_1115 = arith.select %gt3A_1112, %select_n3A_1086, %select_n3A_1114 : vector<16xi1>, vector<16xf32>
      %jit3A_1116 = arith.constant 31 : i32
      %broadcast_in_dim3A_1117 = vector.broadcast %jit3A_1116 : i32 to vector<16xi32>
      %select_n3A_1118 = arith.select %gt3A_1113, %broadcast_in_dim3A_1117, %select_n3A_1085 : vector<16xi1>, vector<16xi32>
      %select_n3A_1119 = arith.select %gt3A_1112, %select_n3A_1089, %select_n3A_1118 : vector<16xi1>, vector<16xi32>
      %select_n3A_1120 = arith.select %gt3A_1112, %get3A_1106, %select_n3A_1086 : vector<16xi1>, vector<16xf32>
      %jit3A_1121 = arith.constant 31 : i32
      %broadcast_in_dim3A_1122 = vector.broadcast %jit3A_1121 : i32 to vector<16xi32>
      %select_n3A_1123 = arith.select %gt3A_1112, %broadcast_in_dim3A_1122, %select_n3A_1089 : vector<16xi1>, vector<16xi32>
      %gt3A_1124 = arith.cmpf ogt, %get3A_1111, %select_n3A_1098 : vector<16xf32>
      %gt3A_1125 = arith.cmpf ogt, %get3A_1111, %select_n3A_1093 : vector<16xf32>
      %select_n3A_1126 = arith.select %gt3A_1125, %get3A_1111, %select_n3A_1093 : vector<16xi1>, vector<16xf32>
      %select_n3A_1127 = arith.select %gt3A_1124, %select_n3A_1098, %select_n3A_1126 : vector<16xi1>, vector<16xf32>
      %jit3A_1128 = arith.constant 63 : i32
      %broadcast_in_dim3A_1129 = vector.broadcast %jit3A_1128 : i32 to vector<16xi32>
      %select_n3A_1130 = arith.select %gt3A_1125, %broadcast_in_dim3A_1129, %select_n3A_1097 : vector<16xi1>, vector<16xi32>
      %select_n3A_1131 = arith.select %gt3A_1124, %select_n3A_1101, %select_n3A_1130 : vector<16xi1>, vector<16xi32>
      %select_n3A_1132 = arith.select %gt3A_1124, %get3A_1111, %select_n3A_1098 : vector<16xi1>, vector<16xf32>
      %jit3A_1133 = arith.constant 63 : i32
      %broadcast_in_dim3A_1134 = vector.broadcast %jit3A_1133 : i32 to vector<16xi32>
      %select_n3A_1135 = arith.select %gt3A_1124, %broadcast_in_dim3A_1134, %select_n3A_1101 : vector<16xi1>, vector<16xi32>
      %gt3A_1136 = arith.cmpf ogt, %select_n3A_1132, %select_n3A_1120 : vector<16xf32>
      %gt3A_1137 = arith.cmpf ogt, %select_n3A_1132, %select_n3A_1115 : vector<16xf32>
      %select_n3A_1138 = arith.select %gt3A_1137, %select_n3A_1132, %select_n3A_1115 : vector<16xi1>, vector<16xf32>
      %select_n3A_1139 = arith.select %gt3A_1136, %select_n3A_1120, %select_n3A_1138 : vector<16xi1>, vector<16xf32>
      %select_n3A_1140 = arith.select %gt3A_1137, %select_n3A_1135, %select_n3A_1119 : vector<16xi1>, vector<16xi32>
      %select_n3A_1141 = arith.select %gt3A_1136, %select_n3A_1123, %select_n3A_1140 : vector<16xi1>, vector<16xi32>
      %select_n3A_1142 = arith.select %gt3A_1136, %select_n3A_1132, %select_n3A_1120 : vector<16xi1>, vector<16xf32>
      %select_n3A_1143 = arith.select %gt3A_1136, %select_n3A_1135, %select_n3A_1123 : vector<16xi1>, vector<16xi32>
      %gt3A_1144 = arith.cmpf ogt, %select_n3A_1127, %select_n3A_1142 : vector<16xf32>
      %gt3A_1145 = arith.cmpf ogt, %select_n3A_1127, %select_n3A_1139 : vector<16xf32>
      %select_n3A_1146 = arith.select %gt3A_1145, %select_n3A_1127, %select_n3A_1139 : vector<16xi1>, vector<16xf32>
      %select_n3A_1147 = arith.select %gt3A_1144, %select_n3A_1142, %select_n3A_1146 : vector<16xi1>, vector<16xf32>
      %select_n3A_1148 = arith.select %gt3A_1145, %select_n3A_1131, %select_n3A_1141 : vector<16xi1>, vector<16xi32>
      %select_n3A_1149 = arith.select %gt3A_1144, %select_n3A_1143, %select_n3A_1148 : vector<16xi1>, vector<16xi32>
      %select_n3A_1150 = arith.select %gt3A_1144, %select_n3A_1127, %select_n3A_1142 : vector<16xi1>, vector<16xf32>
      %select_n3A_1151 = arith.select %gt3A_1144, %select_n3A_1131, %select_n3A_1143 : vector<16xi1>, vector<16xi32>
      %sub3A = arith.subf %select_n3A_1147, %select_n3A_1150 : vector<16xf32>
      %exp3A = math.exp %sub3A : vector<16xf32>
      %add3A_1152 = arith.constant 1.000000e+00 : f32
      %add3A_1153 = vector.broadcast %add3A_1152 : f32 to vector<16xf32>
      %add3A_1154 = arith.addf %add3A_1153, %exp3A : vector<16xf32>
      %div3A = arith.constant 1.000000e+00 : f32
      %div3A_1155 = vector.broadcast %div3A : f32 to vector<16xf32>
      %div3A_1156 = arith.divf %div3A_1155, %add3A_1154 : vector<16xf32>
      %swap3A = arith.index_cast %multiple_of3A : i32 to index
      %swap3A_1157 = tpu.vector_load %arg6[%swap3A] {strides = array<i32>} : memref<512xi32, #tpu.memory_space<vmem>>, vector<16xi32>,
      %swap3A_1158 = vector.shape_cast %swap3A_1157 : vector<16xi32> to vector<16xi32>
      %swap3A_1159 = vector.shape_cast %select_n3A_1151 : vector<16xi32> to vector<16xi32>
      tpu.vector_store %arg6[%swap3A], %swap3A_1159 {strides = array<i32>} : memref<512xi32, #tpu.memory_space<vmem>>, vector<16xi32>,
      %swap3A_1160 = arith.index_cast %multiple_of3A : i32 to index
      %swap3A_1161 = tpu.vector_load %arg7[%swap3A_1160] {strides = array<i32>} : memref<512xi32, #tpu.memory_space<vmem>>, vector<16xi32>,
      %swap3A_1162 = vector.shape_cast %swap3A_1161 : vector<16xi32> to vector<16xi32>
      %swap3A_1163 = vector.shape_cast %select_n3A_1149 : vector<16xi32> to vector<16xi32>
      tpu.vector_store %arg7[%swap3A_1160], %swap3A_1163 {strides = array<i32>} : memref<512xi32, #tpu.memory_space<vmem>>, vector<16xi32>,
      %swap3A_1164 = arith.index_cast %multiple_of3A : i32 to index
      %swap3A_1165 = tpu.vector_load %arg8[%swap3A_1164] {strides = array<i32>} : memref<512xf32, #tpu.memory_space<vmem>>, vector<16xf32>,
      %swap3A_1166 = vector.shape_cast %swap3A_1165 : vector<16xf32> to vector<16xf32>
      %swap3A_1167 = vector.shape_cast %div3A_1156 : vector<16xf32> to vector<16xf32>
      tpu.vector_store %arg8[%swap3A_1164], %swap3A_1167 {strides = array<i32>} : memref<512xf32, #tpu.memory_space<vmem>>, vector<16xf32>,
      %sub3A_1168 = arith.constant 1.000000e+00 : f32
      %sub3A_1169 = vector.broadcast %sub3A_1168 : f32 to vector<16xf32>
      %sub3A_1170 = arith.subf %sub3A_1169, %div3A_1156 : vector<16xf32>
      %swap3A_1171 = arith.index_cast %multiple_of3A : i32 to index
      %swap3A_1172 = tpu.vector_load %arg9[%swap3A_1171] {strides = array<i32>} : memref<512xf32, #tpu.memory_space<vmem>>, vector<16xf32>,
      %swap3A_1173 = vector.shape_cast %swap3A_1172 : vector<16xf32> to vector<16xf32>
      %swap3A_1174 = vector.shape_cast %sub3A_1170 : vector<16xf32> to vector<16xf32>
      tpu.vector_store %arg9[%swap3A_1171], %swap3A_1174 {strides = array<i32>} : memref<512xf32, #tpu.memory_space<vmem>>, vector<16xf32>,
    }
    %scan3A_8 = arith.constant 32 : i32
    %mul3A_9 = arith.constant 512 : i32
    %mul3A_10 = arith.muli %add3A, %mul3A_9 : i32
    %dma_start3A = arith.constant 0 : i32
    %dma_start3A_11 = tpu.memref_slice %arg3[%dma_start3A, %mul3A_10] : memref<2x16384xi32, #tpu.memory_space<hbm>> -> memref<1x512xi32, #tpu.memory_space<hbm>>
    %dma_start3A_12 = tpu.memref_squeeze %dma_start3A_11 : memref<1x512xi32, #tpu.memory_space<hbm>> -> memref<512xi32, #tpu.memory_space<hbm>>
    %dma_start3A_13 = tpu.memref_slice %arg3[%dma_start3A, %mul3A_10] : memref<2x16384xi32, #tpu.memory_space<hbm>> -> memref<1x512xi32, #tpu.memory_space<hbm>>
    %dma_start3A_14 = tpu.memref_squeeze %dma_start3A_13 : memref<1x512xi32, #tpu.memory_space<hbm>> -> memref<512xi32, #tpu.memory_space<hbm>>
    tpu.enqueue_dma source(%arg6 : memref<512xi32, #tpu.memory_space<vmem>>) target(%dma_start3A_14 : memref<512xi32, #tpu.memory_space<hbm>>) target_semaphore(%arg10 : memref<!tpu.dma_semaphore, #tpu.memory_space<semaphore_mem>>)
    %dma_start3A_15 = arith.constant 1 : i32
    %dma_start3A_16 = tpu.memref_slice %arg3[%dma_start3A_15, %mul3A_10] : memref<2x16384xi32, #tpu.memory_space<hbm>> -> memref<1x512xi32, #tpu.memory_space<hbm>>
    %dma_start3A_17 = tpu.memref_squeeze %dma_start3A_16 : memref<1x512xi32, #tpu.memory_space<hbm>> -> memref<512xi32, #tpu.memory_space<hbm>>
    %dma_start3A_18 = tpu.memref_slice %arg3[%dma_start3A_15, %mul3A_10] : memref<2x16384xi32, #tpu.memory_space<hbm>> -> memref<1x512xi32, #tpu.memory_space<hbm>>
    %dma_start3A_19 = tpu.memref_squeeze %dma_start3A_18 : memref<1x512xi32, #tpu.memory_space<hbm>> -> memref<512xi32, #tpu.memory_space<hbm>>
    tpu.enqueue_dma source(%arg7 : memref<512xi32, #tpu.memory_space<vmem>>) target(%dma_start3A_19 : memref<512xi32, #tpu.memory_space<hbm>>) target_semaphore(%arg11 : memref<!tpu.dma_semaphore, #tpu.memory_space<semaphore_mem>>)
    %dma_start3A_20 = arith.constant 0 : i32
    %dma_start3A_21 = tpu.memref_slice %arg4[%dma_start3A_20, %mul3A_10] : memref<2x16384xf32, #tpu.memory_space<hbm>> -> memref<1x512xf32, #tpu.memory_space<hbm>>
    %dma_start3A_22 = tpu.memref_squeeze %dma_start3A_21 : memref<1x512xf32, #tpu.memory_space<hbm>> -> memref<512xf32, #tpu.memory_space<hbm>>
    %dma_start3A_23 = tpu.memref_slice %arg4[%dma_start3A_20, %mul3A_10] : memref<2x16384xf32, #tpu.memory_space<hbm>> -> memref<1x512xf32, #tpu.memory_space<hbm>>
    %dma_start3A_24 = tpu.memref_squeeze %dma_start3A_23 : memref<1x512xf32, #tpu.memory_space<hbm>> -> memref<512xf32, #tpu.memory_space<hbm>>
    tpu.enqueue_dma source(%arg8 : memref<512xf32, #tpu.memory_space<vmem>>) target(%dma_start3A_24 : memref<512xf32, #tpu.memory_space<hbm>>) target_semaphore(%arg12 : memref<!tpu.dma_semaphore, #tpu.memory_space<semaphore_mem>>)
    %dma_start3A_25 = arith.constant 1 : i32
    %dma_start3A_26 = tpu.memref_slice %arg4[%dma_start3A_25, %mul3A_10] : memref<2x16384xf32, #tpu.memory_space<hbm>> -> memref<1x512xf32, #tpu.memory_space<hbm>>
    %dma_start3A_27 = tpu.memref_squeeze %dma_start3A_26 : memref<1x512xf32, #tpu.memory_space<hbm>> -> memref<512xf32, #tpu.memory_space<hbm>>
    %dma_start3A_28 = tpu.memref_slice %arg4[%dma_start3A_25, %mul3A_10] : memref<2x16384xf32, #tpu.memory_space<hbm>> -> memref<1x512xf32, #tpu.memory_space<hbm>>
    %dma_start3A_29 = tpu.memref_squeeze %dma_start3A_28 : memref<1x512xf32, #tpu.memory_space<hbm>> -> memref<512xf32, #tpu.memory_space<hbm>>
    tpu.enqueue_dma source(%arg9 : memref<512xf32, #tpu.memory_space<vmem>>) target(%dma_start3A_29 : memref<512xf32, #tpu.memory_space<hbm>>) target_semaphore(%arg13 : memref<!tpu.dma_semaphore, #tpu.memory_space<semaphore_mem>>)
    %dma_wait3A = arith.constant 0 : i32
    %dma_wait3A_30 = tpu.memref_slice %arg3[%dma_wait3A, %mul3A_10] : memref<2x16384xi32, #tpu.memory_space<hbm>> -> memref<1x512xi32, #tpu.memory_space<hbm>>
    %dma_wait3A_31 = tpu.memref_squeeze %dma_wait3A_30 : memref<1x512xi32, #tpu.memory_space<hbm>> -> memref<512xi32, #tpu.memory_space<hbm>>
    %dma_wait3A_32 = tpu.memref_slice %arg3[%dma_wait3A, %mul3A_10] : memref<2x16384xi32, #tpu.memory_space<hbm>> -> memref<1x512xi32, #tpu.memory_space<hbm>>
    %dma_wait3A_33 = tpu.memref_squeeze %dma_wait3A_32 : memref<1x512xi32, #tpu.memory_space<hbm>> -> memref<512xi32, #tpu.memory_space<hbm>>
    tpu.wait_dma2 semaphore(%arg10 : memref<!tpu.dma_semaphore, #tpu.memory_space<semaphore_mem>>) src(%arg6 : memref<512xi32, #tpu.memory_space<vmem>>) dst(%dma_wait3A_33 : memref<512xi32, #tpu.memory_space<hbm>>)
    %dma_wait3A_34 = arith.constant 1 : i32
    %dma_wait3A_35 = tpu.memref_slice %arg3[%dma_wait3A_34, %mul3A_10] : memref<2x16384xi32, #tpu.memory_space<hbm>> -> memref<1x512xi32, #tpu.memory_space<hbm>>
    %dma_wait3A_36 = tpu.memref_squeeze %dma_wait3A_35 : memref<1x512xi32, #tpu.memory_space<hbm>> -> memref<512xi32, #tpu.memory_space<hbm>>
    %dma_wait3A_37 = tpu.memref_slice %arg3[%dma_wait3A_34, %mul3A_10] : memref<2x16384xi32, #tpu.memory_space<hbm>> -> memref<1x512xi32, #tpu.memory_space<hbm>>
    %dma_wait3A_38 = tpu.memref_squeeze %dma_wait3A_37 : memref<1x512xi32, #tpu.memory_space<hbm>> -> memref<512xi32, #tpu.memory_space<hbm>>
    tpu.wait_dma2 semaphore(%arg11 : memref<!tpu.dma_semaphore, #tpu.memory_space<semaphore_mem>>) src(%arg7 : memref<512xi32, #tpu.memory_space<vmem>>) dst(%dma_wait3A_38 : memref<512xi32, #tpu.memory_space<hbm>>)
    %dma_wait3A_39 = arith.constant 0 : i32
    %dma_wait3A_40 = tpu.memref_slice %arg4[%dma_wait3A_39, %mul3A_10] : memref<2x16384xf32, #tpu.memory_space<hbm>> -> memref<1x512xf32, #tpu.memory_space<hbm>>
    %dma_wait3A_41 = tpu.memref_squeeze %dma_wait3A_40 : memref<1x512xf32, #tpu.memory_space<hbm>> -> memref<512xf32, #tpu.memory_space<hbm>>
    %dma_wait3A_42 = tpu.memref_slice %arg4[%dma_wait3A_39, %mul3A_10] : memref<2x16384xf32, #tpu.memory_space<hbm>> -> memref<1x512xf32, #tpu.memory_space<hbm>>
    %dma_wait3A_43 = tpu.memref_squeeze %dma_wait3A_42 : memref<1x512xf32, #tpu.memory_space<hbm>> -> memref<512xf32, #tpu.memory_space<hbm>>
    tpu.wait_dma2 semaphore(%arg12 : memref<!tpu.dma_semaphore, #tpu.memory_space<semaphore_mem>>) src(%arg8 : memref<512xf32, #tpu.memory_space<vmem>>) dst(%dma_wait3A_43 : memref<512xf32, #tpu.memory_space<hbm>>)
    %dma_wait3A_44 = arith.constant 1 : i32
    %dma_wait3A_45 = tpu.memref_slice %arg4[%dma_wait3A_44, %mul3A_10] : memref<2x16384xf32, #tpu.memory_space<hbm>> -> memref<1x512xf32, #tpu.memory_space<hbm>>
    %dma_wait3A_46 = tpu.memref_squeeze %dma_wait3A_45 : memref<1x512xf32, #tpu.memory_space<hbm>> -> memref<512xf32, #tpu.memory_space<hbm>>
    %dma_wait3A_47 = tpu.memref_slice %arg4[%dma_wait3A_44, %mul3A_10] : memref<2x16384xf32, #tpu.memory_space<hbm>> -> memref<1x512xf32, #tpu.memory_space<hbm>>
    %dma_wait3A_48 = tpu.memref_squeeze %dma_wait3A_47 : memref<1x512xf32, #tpu.memory_space<hbm>> -> memref<512xf32, #tpu.memory_space<hbm>>
    tpu.wait_dma2 semaphore(%arg13 : memref<!tpu.dma_semaphore, #tpu.memory_space<semaphore_mem>>) src(%arg9 : memref<512xf32, #tpu.memory_space<vmem>>) dst(%dma_wait3A_48 : memref<512xf32, #tpu.memory_space<hbm>>)
    return
  }
}

module attributes {stable_mosaic.version = 14 : i64} {
  func.func @_logits_body(%arg0: i32, %arg1: memref<1024x2048xf32, #tpu.memory_space<vmem>>, %arg2: memref<64x2048xf32, #tpu.memory_space<vmem>>, %arg3: memref<64x1xf32, #tpu.memory_space<vmem>>, %arg4: memref<2x64x512xf32, #tpu.memory_space<vmem>>) attributes {dimension_semantics = [#tpu.dimension_semantics<arbitrary>], iteration_bounds = array<i64: 16>, scalar_prefetch = 0 : i64, scratch_operands = 0 : i64, tpu.core_type = #tpu.core_type<tc>, window_params = [{transform_indices = @transform_0, window_bounds = array<i64: 1024, 2048>}, {pipeline_mode = #tpu.pipeline_mode<synchronous>, transform_indices = @transform_1, window_bounds = array<i64: 64, 2048>}, {pipeline_mode = #tpu.pipeline_mode<synchronous>, transform_indices = @transform_2, window_bounds = array<i64: 64, 1>}, {transform_indices = @transform_3, window_bounds = array<i64: 2, 64, 512>}]} {
    %get3A = arith.constant 0 : index
    %get3A_0 = arith.constant 0 : index
    %get3A_1 = vector.load %arg1[%get3A, %get3A_0] : memref<1024x2048xf32, #tpu.memory_space<vmem>>, vector<1024x2048xf32>
    %get3A_2 = arith.constant 0 : index
    %get3A_3 = arith.constant 0 : index
    %get3A_4 = vector.load %arg2[%get3A_2, %get3A_3] : memref<64x2048xf32, #tpu.memory_space<vmem>>, vector<64x2048xf32>
    %get3A_5 = arith.constant 0 : index
    %get3A_6 = arith.constant 0 : index
    %get3A_7 = vector.load %arg3[%get3A_5, %get3A_6] : memref<64x1xf32, #tpu.memory_space<vmem>>, vector<64x1xf32>
    %dot_general3A = arith.constant dense<0.000000e+00> : vector<64x1024xf32>
    %dot_general3A_8 = tpu.matmul %get3A_4, %get3A_1, %dot_general3A {dimension_numbers = #tpu.dot_dimension_numbers<[1], [1], [0], [0], [0, 0, 1, 0], [], []>, transpose_lhs_hint = false} : vector<64x2048xf32>, vector<1024x2048xf32>, vector<64x1024xf32> -> vector<64x1024xf32>
    %add3A = vector.broadcast %get3A_7 : vector<64x1xf32> to vector<64x1024xf32>
    %add3A_9 = arith.addf %dot_general3A_8, %add3A : vector<64x1024xf32>
    %slice3A = vector.extract_strided_slice %add3A_9 {offsets = [0, 0], sizes = [64, 512], strides = [1, 1]} : vector<64x1024xf32> to vector<64x512xf32>
    %swap3A = arith.constant 0 : index
    %swap3A_10 = arith.constant 0 : index
    %swap3A_11 = arith.constant 0 : index
    %swap3A_12 = vector.load %arg4[%swap3A, %swap3A_10, %swap3A_11] : memref<2x64x512xf32, #tpu.memory_space<vmem>>, vector<1x64x512xf32>
    %swap3A_13 = vector.shape_cast %swap3A_12 : vector<1x64x512xf32> to vector<64x512xf32>
    %swap3A_14 = vector.shape_cast %slice3A : vector<64x512xf32> to vector<1x64x512xf32>
    tpu.vector_store %arg4[%swap3A, %swap3A_10, %swap3A_11], %swap3A_14 {strides = array<i32>} : memref<2x64x512xf32, #tpu.memory_space<vmem>>, vector<1x64x512xf32>,
    %slice3A_15 = vector.extract_strided_slice %add3A_9 {offsets = [0, 512], sizes = [64, 512], strides = [1, 1]} : vector<64x1024xf32> to vector<64x512xf32>
    %swap3A_16 = arith.constant 1 : index
    %swap3A_17 = arith.constant 0 : index
    %swap3A_18 = arith.constant 0 : index
    %swap3A_19 = vector.load %arg4[%swap3A_16, %swap3A_17, %swap3A_18] : memref<2x64x512xf32, #tpu.memory_space<vmem>>, vector<1x64x512xf32>
    %swap3A_20 = vector.shape_cast %swap3A_19 : vector<1x64x512xf32> to vector<64x512xf32>
    %swap3A_21 = vector.shape_cast %slice3A_15 : vector<64x512xf32> to vector<1x64x512xf32>
    tpu.vector_store %arg4[%swap3A_16, %swap3A_17, %swap3A_18], %swap3A_21 {strides = array<i32>} : memref<2x64x512xf32, #tpu.memory_space<vmem>>, vector<1x64x512xf32>,
    return
  }
  func.func @transform_0(%arg0: i32) -> (i32, i32) {
    %c0_i32 = arith.constant 0 : i32
    %c0_i32_0 = arith.constant 0 : i32
    return %arg0, %c0_i32 : i32, i32
  }
  func.func @transform_1(%arg0: i32) -> (i32, i32) {
    %c0_i32 = arith.constant 0 : i32
    %c0_i32_0 = arith.constant 0 : i32
    %c0_i32_1 = arith.constant 0 : i32
    return %c0_i32, %c0_i32_0 : i32, i32
  }
  func.func @transform_2(%arg0: i32) -> (i32, i32) {
    %c0_i32 = arith.constant 0 : i32
    %c0_i32_0 = arith.constant 0 : i32
    %c0_i32_1 = arith.constant 0 : i32
    return %c0_i32, %c0_i32_0 : i32, i32
  }
  func.func @transform_3(%arg0: i32) -> (i32, i32, i32) {
    %c0_i32 = arith.constant 0 : i32
    %c0_i32_0 = arith.constant 0 : i32
    %c0_i32_1 = arith.constant 0 : i32
    return %arg0, %c0_i32, %c0_i32_0 : i32, i32, i32
  }
}

</mosaic_0001>

<sc_bundles>
// kernel: kernel.4.cloned.1.call-start
scs
__scs_entry_jumppad:
0x0: {  	(pc) =	sbr.rel $0x88, $3  }
0x1: {  	(tag) =	ssettag $0x0;
	lr =	simm.s32 $0x1  }
0x2: {  	[smem:$0x3F9E] =	sst lr;
	_ =	strace $0xD0000000  }
0x3: {  	_ = 	snop  }
0x4: {  	_ = 	snop  }
0x5: {  	_ = 	snop  }
0x6: {  	_ = 	snop  }
0x7: {  	_ = 	snop  }
__scs_overlays_trampoline_lowered:
0x8: {  	[smem:$0x3FAD] =	sst s0  }
0x9: {  	[smem:$0x3FAE] =	sst s1  }
0xa: {  	[smem:$0x3FAF] =	sst s2  }
0xb: {  	[smem:$0x3FB0] =	sst s3  }
0xc: {  	[smem:$0x3FB1] =	sst s4  }
0xd: {  	[smem:$0x3FB2] =	sst s5  }
0xe: {  	[smem:$0x3FB3] =	sst s6  }
0xf: {  	[smem:$0x3FB4] =	sst s7  }
0x10: {  	[smem:$0x3FB5] =	sst s8  }
0x11: {  	[smem:$0x3FB6] =	sst s9;
	s0 =	simm.s32 @!p0 $0x0  }
0x12: {  	s1 =	sld [smem:$0x3F9C];
	s0 =	simm.s32 @p0 $0x1  }
0x13: {  	[smem:$0x3FB7] =	sst s0;
	s0 =	simm.s32 @!p1 $0x0  }
0x14: {  	s2 =	sld [smem:$0x3F9B];
	s0 =	simm.s32 @p1 $0x1  }
0x15: {  	[smem:$0x3FB8] =	sst s0;
	s0 =	simm.s32 @!p2 $0x0  }
0x16: {  	s3 =	sld [smem:$0x3FDB];
	s0 =	simm.s32 @p2 $0x1  }
0x17: {  	s4 =	simm.s32 $0x1BF5;
	[smem:$0x3FBA] =	sst s0  }
0x18: {  	s0 =	sld [smem:$0x3F9D];
	_ =	swait.ge [sflag:s4], $0x0  }
0x19: {  	s7 =	sld [smem:$0x3F9E]  }
0x1a: {  	s8 =	sadd.s32 $0xFFFFE003, lr  }
0x1b: {  	s9 =	sadd.s32 $0xFFFFFEF7, lr;
	s5 =	simm.s32 $0xFFFFFFFF;
	p2 =	slt.u32 s8, $0xFFFFF086  }
0x1c: {  	p1 =	slt.u32 s9, $0xF7A;
	s5 =	simm.s32 @!p2 $0x0  }
0x1d: {  	s5 =	simm.s32 @p1 $0x1;
	p0 =	seq.s32 s7, s2  }
0x1e: {  	s7 =	smul.u32 @!p0 $0xF7A, s2;
	p2 =	seq.s32 @!p0 s5, $0x0  }
0x1f: {  	s9 =	smul.u32 $0xF7A, s1;
	s8 =	simm.s32 @!p0 $0x1BF5;
	p2 =	por !p2, p0  }
0x20: {  	[sflag:s8] =	ssyncset.s32 @!p0 $0xFFFFF086;
	s6 =	sadd.s32 @!p0 s3, s7;
	s7 =	simm.s32 @!p0 $0x108  }
0x21: {  	s3 =	sadd.s32 s3, s9;
	s6 =	sadd.s32 @!p0 $0x88, s6;
	s7 =	simm.s32 @p2 $0x1082  }
0x22: {  	[simem:s7], [sflag:s8] =	dma.local @!p0 [hbm:s6], $0xF7A  }
0x23: {  	s9 =	sor.u32 $0xD0000000, s2;
	s6 =	simm.s32 $0x108;
	_ =	swait.ge @!p0 [sflag:s8], $0x0  }
0x24: {  	s3 =	sadd.s32 $0x88, s3;
	s6 =	simm.s32 @!p1 $0x1082;
	[sflag:s4] =	ssyncset.s32 $0xFFFFF086  }
0x25: {  	[simem:s6], [sflag:s4] =	dma.local [hbm:s3], $0xF7A  }
0x26: {  	[smem:$0x3F9E] =	sst s1;
	(tag) =	ssettag s2;
	_ =	strace s9  }
0x27: {  	s1 =	sld [smem:$0x3FAE]  }
0x28: {  	s2 =	sld [smem:$0x3FAF]  }
0x29: {  	s4 =	sld [smem:$0x3FB1]  }
0x2a: {  	p0 =	seq.s32 s5, $0x0;
	s5 =	sld [smem:$0x3FB2]  }
0x2b: {  	s6 =	sld [smem:$0x3FB3]  }
0x2c: {  	s7 =	sld [smem:$0x3FB4]  }
0x2d: {  	s3 =	simm.s32 $0x108;
	s8 =	sld [smem:$0x3FB5]  }
0x2e: {  	s3 =	simm.s32 @!p0 $0x1082;
	s9 =	sld [smem:$0x3FB6]  }
0x2f: {  	lr =	sadd.s32 s0, s3;
	s0 =	sld [smem:$0x3FAD]  }
0x30: {  	s3 =	sld [smem:$0x3FB0]  }
0x31: {  	[smem:$0x3FB9] =	sst s10  }
0x32: {  	s10 =	sld [smem:$0x3FB7];
	_ =	sdelay $0x3  }
0x33: {  	p0 =	seq.s32 s10, $0x1;
	s10 =	sld [smem:$0x3FB9];
	_ =	sdelay $0x3  }
0x34: {  	[smem:$0x3FB9] =	sst s10  }
0x35: {  	s10 =	sld [smem:$0x3FB8];
	_ =	sdelay $0x3  }
0x36: {  	p1 =	seq.s32 s10, $0x1;
	s10 =	sld [smem:$0x3FB9];
	_ =	sdelay $0x3  }
0x37: {  	[smem:$0x3FB9] =	sst s10  }
0x38: {  	s10 =	sld [smem:$0x3FBA]  }
0x39: {  	_ = 	snop;
	(pc) =	sbr.ind lr, $3  }
0x3a: {  	_ = 	snop  }
0x3b: {  	_ = 	snop  }
0x3c: {  	p2 =	seq.s32 s10, $0x1;
	s10 =	sld [smem:$0x3FB9]  }
0x3d: {  	_ =	shalt  }
0x3e: {  	_ =	shalt  }
0x3f: {  	_ =	shalt  }
0x40: {  	_ =	shalt  }
0x41: {  	_ =	shalt  }
0x42: {  	_ =	shalt  }
0x43: {  	_ =	shalt  }
0x44: {  	_ =	shalt  }
0x45: {  	_ =	shalt  }
0x46: {  	_ =	shalt  }
0x47: {  	_ =	shalt  }
0x48: {  	_ =	shalt  }
0x49: {  	_ =	shalt  }
0x4a: {  	_ =	shalt  }
0x4b: {  	_ =	shalt  }
0x4c: {  	_ =	shalt  }
0x4d: {  	_ =	shalt  }
0x4e: {  	_ =	shalt  }
0x4f: {  	_ =	shalt  }
0x50: {  	_ =	shalt  }
0x51: {  	_ =	shalt  }
0x52: {  	_ =	shalt  }
0x53: {  	_ =	shalt  }
0x54: {  	_ =	shalt  }
0x55: {  	_ =	shalt  }
0x56: {  	_ =	shalt  }
0x57: {  	_ =	shalt  }
0x58: {  	_ =	shalt  }
0x59: {  	_ =	shalt  }
0x5a: {  	_ =	shalt  }
0x5b: {  	_ =	shalt  }
0x5c: {  	_ =	shalt  }
0x5d: {  	_ =	shalt  }
0x5e: {  	_ =	shalt  }
0x5f: {  	_ =	shalt  }
0x60: {  	_ =	shalt  }
0x61: {  	_ =	shalt  }
0x62: {  	_ =	shalt  }
0x63: {  	_ =	shalt  }
0x64: {  	_ =	shalt  }
0x65: {  	_ =	shalt  }
0x66: {  	_ =	shalt  }
0x67: {  	_ =	shalt  }
0x68: {  	_ =	shalt  }
0x69: {  	_ =	shalt  }
0x6a: {  	_ =	shalt  }
0x6b: {  	_ =	shalt  }
0x6c: {  	_ =	shalt  }
0x6d: {  	_ =	shalt  }
0x6e: {  	_ =	shalt  }
0x6f: {  	_ =	shalt  }
0x70: {  	_ =	shalt  }
0x71: {  	_ =	shalt  }
0x72: {  	_ =	shalt  }
0x73: {  	_ =	shalt  }
0x74: {  	_ =	shalt  }
0x75: {  	_ =	shalt  }
0x76: {  	_ =	shalt  }
0x77: {  	_ =	shalt  }
0x78: {  	_ =	shalt  }
0x79: {  	_ =	shalt  }
0x7a: {  	_ =	shalt  }
0x7b: {  	_ =	shalt  }
0x7c: {  	_ =	shalt  }
0x7d: {  	_ =	shalt  }
0x7e: {  	_ =	shalt  }
0x7f: {  	_ =	shalt  }
0x80: {  	_ =	shalt  }
0x81: {  	_ =	shalt  }
0x82: {  	_ =	shalt  }
0x83: {  	_ =	shalt  }
0x84: {  	_ =	shalt  }
0x85: {  	_ =	shalt  }
0x86: {  	_ =	shalt  }
0x87: {  	_ =	shalt  }
.Lfunc_end0:
.L_simem_size_0:
called_computation_lowered:
.L_overlay_start_0:
0x88: {  	s2 =	sld [smem:$0x3FD9]  }
0x89: {  	s3 =	sld [smem:$0x3FFE];
	_ =	sdelay $0x1  }
0x8a: {  	s1 =	srdreg.scid  }
0x8b: {  	s0 =	sand.u32 $0x1, s1  }
0x8c: {  	s14 =	sshll.u32 s0, $0xA;
	s2 =	sadd.s32 s3, s2  }
0x8d: {  	s2 =	sadd.s32 s2, s14  }
0x8e: {  	[smem:$0x3FC5] =	sst s2  }
0x8f: {  	_ = 	snop  }
0x90: {  	s2 =	sld [smem:$0x3FD0];
	_ =	sdelay $0x2  }
0x91: {  	s15 =	simm.s32 $0xA;
	s4 =	simm.s32 $0x10  }
0x92: {  	[smem:s4], [sflag:s15] =	dma.local [hbm:s2], $0x1  }
0x93: {  	_ =	swait.eq [sflag:s15], $0x1  }
0x94: {  	[sflag:s15] =	ssyncset.done $0x0  }
0x95: {  	s16 =	sld [smem:$0x10];
	[sflag:s15] =	ssyncadd.s32 $0xFFFFFFFF  }
0x96: {  	s17 =	sld [smem:$0x11];
	(tm) =	ssettm $0x1  }
0x97: {  	s18 =	sld [smem:$0x3FFB];
	_ =	sdelay $0x3  }
0x98: {  	_ =	strace s18  }
0x99: {  	s4 =	sld [smem:$0x3FFC];
	_ =	sdelay $0x3  }
0x9a: {  	_ =	strace s4  }
0x9b: {  	s4 =	sld [smem:$0x3FFD];
	_ =	sdelay $0x3  }
0x9c: {  	_ =	strace s4  }
0x9d: {  	_ =	strace $0x8FFFFFFF  }
0x9e: {  	s19 =	sld [smem:$0x3FDB];
	_ =	sdelay $0x1  }
0x9f: {  	s5 =	simm.s32 $_scs_section_size  }
0xa0: {  	s6 =	simm.s32 $_size__tile_overlayer_lowered;
	s7 =	simm.s32 $_tile_overlayer_lowered  }
0xa1: {  	s22 =	simm.s32 $0x1BFF;
	s21 =	sshll.u32 s7, $0x1;
	s4 =	sadd.s32 s5, s19  }
0xa2: {  	s8 =	simm.s32 $0x0;
	s20 =	sshll.u32 s6, $0x1;
	s6 =	sadd.s32 s21, s4  }
0xa3: {  	[timem:s8], [sflag:s22] =	dma.local [hbm:s6], s20  }
0xa4: {  	_ =	swait.ge [sflag:s22], s20  }
0xa5: {  	s5 =	ssub.s32 $0x0, s20;
	[sflag:s22] =	ssyncset.done $0x0  }
0xa6: {  	[sflag:s22] =	ssyncadd.s32 s5;
	_ =	sdelay $0x1  }
0xa7: {  	s23 =	simm.s32 $0x1B8B  }
0xa8: {  	_ =	swait.ge [sflag:s23], $0x1  }
0xa9: {  	[sflag:s23] =	ssyncset.done $0x0  }
0xaa: {  	s25 =	simm.s32 $0x1B8E;
	s24 =	sld [smem:$0x3FFE];
	[sflag:s23] =	ssyncadd.s32 $0xFFFFFFFF  }
0xab: {  	s26 =	simm.s32 $execute0_lowered;
	[smem:$0x3FD2] =	sst s25  }
0xac: {  	s6 =	sshll.u32 s26, $0x1;
	_ =	strace $0x80000046;
	[dreg:$0x1] =	wrdreg $0xFFFFFFFF  }
0xad: {  	s28 =	simm.s32 $_size_execute0_lowered;
	s4 =	sadd.s32 s4, s6;
	[dreg:$0x0] =	wrdreg $0x0  }
0xae: {  	s6 =	sshll.u32 s28, $0x1;
	[dreg:$0x2] =	wrdreg s4  }
0xaf: {  	[dreg:$0x3] =	wrdreg s6  }
0xb0: {  	[dreg:$0x4] =	wrdreg $0xC0  }
0xb1: {  	_ =	task [dreg:s8], $0x5FFFF  }
0xb2: {  	[dreg:$0x1] =	wrdreg $0xFFFFFFFF  }
0xb3: {  	[dreg:$0x0] =	wrdreg $0x60  }
0xb4: {  	[dreg:$0x2] =	wrdreg s24  }
0xb5: {  	[dreg:$0x3] =	wrdreg s16  }
0xb6: {  	[dreg:$0x4] =	wrdreg s17  }
0xb7: {  	[dreg:$0x5] =	wrdreg $0x9  }
0xb8: {  	_ =	task.clear_ibuf [dreg:s8], $0x6FFFF;
	_ =	strace $0x90000046  }
0xb9: {  	s29 =	simm.s32 $0x9;
	_ =	strace $0x80000048  }
0xba: {  	_ =	swait.ge [sflag:s29], $0x1  }
0xbb: {  	[sflag:s29] =	ssyncadd.s32 $0xFFFFFFFF  }
0xbc: {  	_ =	strace $0x90000048  }
0xbd: {  	_ =	sfence  }
0xbe: {  	s30 =	sld [smem:$0x0];
	_ =	sdelay $0x2  }
0xbf: {  	s31 =	sshll.u32 s1, $0xD;
	s1 =	sshrl.u32 s1, $0x2  }
0xc0: {  	s3 =	sand.u32 $0x4000, s31;
	s1 =	sadd.s32 s1, s30  }
0xc1: {  	s0 =	sor.u32 s3, s0;
	s1 =	sshll.u32 s1, $0x11  }
0xc2: {  	s0 =	sor.u32 s1, s0  }
0xc3: {  	s0 =	sadd.s32 $0x8F2B, s0  }
0xc4: {  	[sflag:s0] =	ssyncadd.remote.s32 $0x1  }
0xc5: {  	_ =	sfence.sel $0xFFFF  }
0xc6: {  	[dreg:$0x0] =	wrdreg $0xFFFFFFFF;
	(pc) =	sbr.abs _section_cstart, $3  }
0xc7: {  	[dreg:$0x1] =	wrdreg $0xFFFFFFFF  }
0xc8: {  	_ =	task.clear_ibuf [dreg:s8], $0x2FFFF;
	_ =	strace $0x9FFFFFFF  }
0xc9: {  	(tm) =	ssettm $0x7FFFFFFF  }
tec
execute0_lowered:
.L_overlay_start_1:
0x0: {  	(tag) =	ssettag $0x1  }
0x1: {  	s3 =	rddreg [dreg:$0x0]  }
0x2: {  	s5 =	rddreg [dreg:$0x1]  }
0x3: {  	s7 =	rddreg [dreg:$0x2]  }
0x4: {  	s0 =	rddreg [dreg:$0x3]  }
0x5: {  	s2 =	simm.s32 $0x0;
	s4 =	srdreg.scid;
	s1 =	stileid.u32  }
0x6: {  	s10 =	simm.s32 $0x80;
	s11 =	simm.s32 $0x100;
	s12 =	simm.s32 $0x8000  }
0x7: {  	s13 =	simm.s32 $0x8200;
	s14 =	simm.s32 $0x8400;
	s15 =	simm.s32 $0x8600  }
0x8: {  	s16 =	simm.s32 $0x1;
	s17 =	simm.s32 $0x2;
	s18 =	simm.s32 $0x3  }
0x9: {  	s19 =	simm.s32 $0x4;
	s4 =	sand.u32 $0x1, s4;
	s6 =	sshll.u32 s1, $0x1  }
0xa: {  	s20 =	simm.s32 $0x0;
	[smem:$0x7FF] =	sst s2;
	s6 =	sor.u32 s4, s6  }
0xb: {  	_ =	strace $0x80000047;
	s4 =	ssub.s32 $0x2, s4;
	s8 =	sshll.u32 s6, $0xC  }
0xc: {  	s9 =	sshrl.u32 s4, $0x1;
	s6 =	sshll.u32 s6, $0x7;
	s3 =	sadd.s32 s8, s3  }
0xd: {  	s30 =	ssub.s32 s4, s9;
	s31 =	sor.u32 $0x10, s6;
	s4 =	sadd.s32 s5, s6  }
0xe: {  	s6 =	sadd.s32 s7, s6;
	s9 =	simm.s32 $0x5;
	s3 =	sadd.s32 $0xC00, s3  }
0xf: {  	v0 =	vimm.s32 $0x0;
	s5 =	sadd.s32 s5, s31;
	s7 =	sadd.s32 s7, s31;
	s8 =	smax.u32 s30, $0x1  }
.LBB2_1:
0x10: {  	[tilespmem:s2], [sflag:$0x5] =	stream.linear.gather [hbm4b:s3+s2], $0x8000, $0x38;
	[tilespmem:$0x8800] =	vst v63  }
0x11: {  	s21 =	simm.s32 $0x8600;
	s22 =	simm.s32 $0x8400;
	_ =	swait.ge [sflag:s9], $0x8000  }
0x12: {  	s23 =	simm.s32 $0x8200;
	s24 =	simm.s32 $0x8000;
	[sflag:s9] =	ssyncset.done $0x0  }
0x13: {  	s25 =	simm.s32 $0x0;
	s26 =	simm.s32 $0x0;
	[sflag:s9] =	ssyncadd.s32 $0xFFFF8000  }
.LBB2_2:
0x14: {  	s28 =	sand.u32 $0x70, s26;
	s29 =	sand.u32 $0xC00, s25  }
0x15: {  	s28 =	sor.u32 s28, s29  }
0x16: {  	v1 =	vld [tilespmem:s28+$0x0]  }
0x17: {  	v2 =	vld [tilespmem:s28+$0x4000]  }
0x18: {  	v3 =	vld [tilespmem:s28+$0x80]  }
0x19: {  	v4 =	vld [tilespmem:s28+$0x4080];
	_ =	sdelay $0x1  }
0x1a: {  	v18 =	vimm.s32 $0x0;
	v21 =	vimm.s32 $0x0;
	v23 =	vimm.s32 $0x0  }
0x1b: {  	v25 =	vimm.s32 $0x0;
	v26 =	vimm.s32 $0x0;
	vm0 =	vgt.f32 v1, $-Inf  }
0x1c: {  	vm12 =	vlt.f32 v2, $-Inf;
	vm1 =	vgt.f32 v2, $-Inf;
	vm13 =	vlt.f32 v3, $-Inf  }
0x1d: {  	vm2 =	vgt.f32 v3, $-Inf;
	vm15 =	vlt.f32 v4, $-Inf;
	vm4 =	vgt.f32 v4, $-Inf  }
0x1e: {  	v1 =	vnsel vm0, $0xFF800000, v1;
	vm0 =	vmor vm1, vm12;
	vm1 =	vmor vm2, vm13  }
0x1f: {  	v7 =	vld [tilespmem:s28+$0x100];
	vm5 =	vmor vm4, vm15;
	v2 =	vnsel vm0, $0xFF800000, v2;
	vm3 =	vgt.f32 v3, v1  }
0x20: {  	v5 =	vsel vm0, $0x20, v0;
	v6 =	vnsel vm1, $0xFF800000, v3;
	v11 =	vsel vm5, $0x21, v0  }
0x21: {  	v9 =	vld [tilespmem:s28+$0x4100];
	vm14 =	vmneg vm3;
	vm6 =	vgt.f32 v4, v2;
	v10 =	vsel vm3, $0x1, v0  }
0x22: {  	vm1 =	vmand vm14, vm1;
	v6 =	vsel vm14, v6, v1;
	v1 =	vsel vm14, v1, v3  }
0x23: {  	v3 =	vnsel vm5, $0xFF800000, v4;
	v11 =	vsel vm6, v5, v11;
	v5 =	vsel vm6, $0x21, v5  }
0x24: {  	v27 =	vld [tilespmem:s28+$0x180];
	v8 =	vsel vm1, $0x1, v0;
	v3 =	vsel vm6, v2, v3;
	vm7 =	vgt.f32 v7, v6  }
0x25: {  	v2 =	vsel vm6, v4, v2;
	vm8 =	vgt.f32 v7, v1;
	v6 =	vsel vm7, v7, v6  }
0x26: {  	v29 =	vld [tilespmem:s28+$0x4180];
	v8 =	vsel vm7, $0x2, v8;
	v28 =	vsel vm8, $0x2, v10;
	vm9 =	vgt.f32 v9, v3  }
0x27: {  	vm10 =	vgt.f32 v9, v2;
	v6 =	vsel vm8, v1, v6;
	v8 =	vsel vm8, v10, v8  }
0x28: {  	v1 =	vsel vm8, v7, v1;
	v3 =	vsel vm9, v9, v3;
	v11 =	vsel vm9, $0x22, v11  }
0x29: {  	v3 =	vsel vm10, v2, v3;
	v11 =	vsel vm10, v5, v11;
	vm11 =	vgt.f32 v27, v6  }
0x2a: {  	v2 =	vsel vm10, v9, v2;
	vm12 =	vgt.f32 v27, v1;
	v5 =	vsel vm10, $0x22, v5  }
0x2b: {  	v30 =	vld [tilespmem:s28+$0x200];
	v6 =	vsel vm11, v27, v6;
	v8 =	vsel vm11, $0x3, v8;
	vm13 =	vgt.f32 v29, v3  }
0x2c: {  	v31 =	vld [tilespmem:s28+$0x4200];
	vm14 =	vgt.f32 v29, v2;
	v7 =	vsel vm12, $0x3, v28;
	v6 =	vsel vm12, v1, v6  }
0x2d: {  	v8 =	vsel vm12, v28, v8;
	v1 =	vsel vm12, v27, v1;
	v3 =	vsel vm13, v29, v3  }
0x2e: {  	v11 =	vsel vm13, $0x23, v11;
	v28 =	vimm.s32 $0x0;
	v3 =	vsel vm14, v2, v3  }
0x2f: {  	v11 =	vsel vm14, v5, v11;
	v2 =	vsel vm14, v29, v2;
	v5 =	vsel vm14, $0x23, v5  }
0x30: {  	v32 =	vld [tilespmem:s28+$0x280];
	vm15 =	vgt.f32 v30, v6;
	vm4 =	vgt.f32 v30, v1;
	v29 =	vimm.s32 $0x0  }
0x31: {  	v6 =	vsel vm15, v30, v6;
	v8 =	vsel vm15, $0x4, v8;
	vm5 =	vgt.f32 v31, v3  }
0x32: {  	v33 =	vld [tilespmem:s28+$0x4280];
	vm6 =	vgt.f32 v31, v2;
	v6 =	vsel vm4, v1, v6;
	v8 =	vsel vm4, v7, v8  }
0x33: {  	v1 =	vsel vm4, v30, v1;
	v3 =	vsel vm5, v31, v3;
	v11 =	vsel vm5, $0x24, v11  }
0x34: {  	v7 =	vsel vm4, $0x4, v7;
	v3 =	vsel vm6, v2, v3;
	v11 =	vsel vm6, v5, v11  }
0x35: {  	v2 =	vsel vm6, v31, v2;
	vm7 =	vgt.f32 v32, v6;
	vm8 =	vgt.f32 v32, v1  }
0x36: {  	v34 =	vld [tilespmem:s28+$0x300];
	v5 =	vsel vm6, $0x24, v5;
	v31 =	vimm.s32 $0x0;
	v6 =	vsel vm7, v32, v6  }
0x37: {  	v8 =	vsel vm7, $0x5, v8;
	vm9 =	vgt.f32 v33, v3;
	vm10 =	vgt.f32 v33, v2  }
0x38: {  	v35 =	vld [tilespmem:s28+$0x4300];
	v6 =	vsel vm8, v1, v6;
	v8 =	vsel vm8, v7, v8;
	v1 =	vsel vm8, v32, v1  }
0x39: {  	v7 =	vsel vm8, $0x5, v7;
	v3 =	vsel vm9, v33, v3;
	v11 =	vsel vm9, $0x25, v11  }
0x3a: {  	v32 =	vimm.s32 $0x0;
	v3 =	vsel vm10, v2, v3;
	v11 =	vsel vm10, v5, v11  }
0x3b: {  	vm11 =	vgt.f32 v34, v6;
	v2 =	vsel vm10, v33, v2;
	vm12 =	vgt.f32 v34, v1  }
0x3c: {  	v36 =	vld [tilespmem:s28+$0x380];
	v5 =	vsel vm10, $0x25, v5;
	v6 =	vsel vm11, v34, v6;
	v8 =	vsel vm11, $0x6, v8  }
0x3d: {  	vm13 =	vgt.f32 v35, v3;
	vm14 =	vgt.f32 v35, v2;
	v6 =	vsel vm12, v1, v6  }
0x3e: {  	v37 =	vld [tilespmem:s28+$0x4380];
	v8 =	vsel vm12, v7, v8;
	v1 =	vsel vm12, v34, v1;
	v3 =	vsel vm13, v35, v3  }
0x3f: {  	v11 =	vsel vm13, $0x26, v11;
	v7 =	vsel vm12, $0x6, v7;
	v34 =	vimm.s32 $0x0  }
0x40: {  	v3 =	vsel vm14, v2, v3;
	v11 =	vsel vm14, v5, v11;
	v2 =	vsel vm14, v35, v2  }
0x41: {  	v38 =	vld [tilespmem:s28+$0x1000];
	v5 =	vsel vm14, $0x26, v5;
	vm15 =	vgt.f32 v36, v6;
	vm4 =	vgt.f32 v36, v1  }
0x42: {  	v35 =	vimm.s32 $0x0;
	v6 =	vsel vm15, v36, v6;
	v8 =	vsel vm15, $0x7, v8  }
0x43: {  	v39 =	vld [tilespmem:s28+$0x5000];
	vm5 =	vgt.f32 v37, v3;
	vm6 =	vgt.f32 v37, v2;
	v6 =	vsel vm4, v1, v6  }
0x44: {  	v8 =	vsel vm4, v7, v8;
	v1 =	vsel vm4, v36, v1;
	v3 =	vsel vm5, v37, v3  }
0x45: {  	v7 =	vsel vm4, $0x7, v7;
	v11 =	vsel vm5, $0x27, v11;
	v3 =	vsel vm6, v2, v3  }
0x46: {  	v11 =	vsel vm6, v5, v11;
	v2 =	vsel vm6, v37, v2;
	vm7 =	vgt.f32 v38, v6  }
0x47: {  	v40 =	vld [tilespmem:s28+$0x1080];
	vm8 =	vgt.f32 v38, v1;
	v5 =	vsel vm6, $0x27, v5;
	v37 =	vimm.s32 $0x0  }
0x48: {  	v6 =	vsel vm7, v38, v6;
	v8 =	vsel vm7, $0x8, v8;
	vm9 =	vgt.f32 v39, v3  }
0x49: {  	v41 =	vld [tilespmem:s28+$0x5080];
	vm10 =	vgt.f32 v39, v2;
	v6 =	vsel vm8, v1, v6;
	v8 =	vsel vm8, v7, v8  }
0x4a: {  	v1 =	vsel vm8, v38, v1;
	v7 =	vsel vm8, $0x8, v7;
	v3 =	vsel vm9, v39, v3  }
0x4b: {  	v11 =	vsel vm9, $0x28, v11;
	v38 =	vimm.s32 $0x0;
	v3 =	vsel vm10, v2, v3  }
0x4c: {  	v11 =	vsel vm10, v5, v11;
	vm11 =	vgt.f32 v40, v6;
	v2 =	vsel vm10, v39, v2  }
0x4d: {  	v42 =	vld [tilespmem:s28+$0x1100];
	vm12 =	vgt.f32 v40, v1;
	v5 =	vsel vm10, $0x28, v5;
	v6 =	vsel vm11, v40, v6  }
0x4e: {  	v8 =	vsel vm11, $0x9, v8;
	vm13 =	vgt.f32 v41, v3;
	vm14 =	vgt.f32 v41, v2  }
0x4f: {  	v43 =	vld [tilespmem:s28+$0x5100];
	v6 =	vsel vm12, v1, v6;
	v8 =	vsel vm12, v7, v8;
	v1 =	vsel vm12, v40, v1  }
0x50: {  	v3 =	vsel vm13, v41, v3;
	v11 =	vsel vm13, $0x29, v11;
	v7 =	vsel vm12, $0x9, v7  }
0x51: {  	v40 =	vimm.s32 $0x0;
	v3 =	vsel vm14, v2, v3;
	v11 =	vsel vm14, v5, v11  }
0x52: {  	v2 =	vsel vm14, v41, v2;
	v5 =	vsel vm14, $0x29, v5;
	vm15 =	vgt.f32 v42, v6  }
0x53: {  	v44 =	vld [tilespmem:s28+$0x1180];
	vm4 =	vgt.f32 v42, v1;
	v41 =	vimm.s32 $0x0;
	v6 =	vsel vm15, v42, v6  }
0x54: {  	v8 =	vsel vm15, $0xA, v8;
	vm5 =	vgt.f32 v43, v3;
	vm6 =	vgt.f32 v43, v2  }
0x55: {  	v45 =	vld [tilespmem:s28+$0x5180];
	v6 =	vsel vm4, v1, v6;
	v8 =	vsel vm4, v7, v8;
	v1 =	vsel vm4, v42, v1  }
0x56: {  	v3 =	vsel vm5, v43, v3;
	v7 =	vsel vm4, $0xA, v7;
	v11 =	vsel vm5, $0x2A, v11  }
0x57: {  	v3 =	vsel vm6, v2, v3;
	v11 =	vsel vm6, v5, v11;
	v2 =	vsel vm6, v43, v2  }
0x58: {  	v46 =	vld [tilespmem:s28+$0x1200];
	vm7 =	vgt.f32 v44, v6;
	vm8 =	vgt.f32 v44, v1;
	v5 =	vsel vm6, $0x2A, v5  }
0x59: {  	v43 =	vimm.s32 $0x0;
	v6 =	vsel vm7, v44, v6;
	v8 =	vsel vm7, $0xB, v8  }
0x5a: {  	v47 =	vld [tilespmem:s28+$0x5200];
	vm9 =	vgt.f32 v45, v3;
	vm10 =	vgt.f32 v45, v2;
	v6 =	vsel vm8, v1, v6  }
0x5b: {  	v8 =	vsel vm8, v7, v8;
	v1 =	vsel vm8, v44, v1;
	v3 =	vsel vm9, v45, v3  }
0x5c: {  	v7 =	vsel vm8, $0xB, v7;
	v11 =	vsel vm9, $0x2B, v11;
	v3 =	vsel vm10, v2, v3  }
0x5d: {  	v11 =	vsel vm10, v5, v11;
	vm11 =	vgt.f32 v46, v6;
	v2 =	vsel vm10, v45, v2  }
0x5e: {  	v48 =	vld [tilespmem:s28+$0x1280];
	vm12 =	vgt.f32 v46, v1;
	v5 =	vsel vm10, $0x2B, v5;
	v45 =	vimm.s32 $0x0  }
0x5f: {  	v6 =	vsel vm11, v46, v6;
	v8 =	vsel vm11, $0xC, v8;
	vm13 =	vgt.f32 v47, v3  }
0x60: {  	v49 =	vld [tilespmem:s28+$0x5280];
	vm14 =	vgt.f32 v47, v2;
	v6 =	vsel vm12, v1, v6;
	v8 =	vsel vm12, v7, v8  }
0x61: {  	v1 =	vsel vm12, v46, v1;
	v3 =	vsel vm13, v47, v3;
	v11 =	vsel vm13, $0x2C, v11  }
0x62: {  	v7 =	vsel vm12, $0xC, v7;
	v46 =	vimm.s32 $0x0;
	v3 =	vsel vm14, v2, v3  }
0x63: {  	v11 =	vsel vm14, v5, v11;
	v2 =	vsel vm14, v47, v2;
	vm15 =	vgt.f32 v48, v6  }
0x64: {  	v50 =	vld [tilespmem:s28+$0x1300];
	v5 =	vsel vm14, $0x2C, v5;
	vm4 =	vgt.f32 v48, v1;
	v6 =	vsel vm15, v48, v6  }
0x65: {  	v8 =	vsel vm15, $0xD, v8;
	vm5 =	vgt.f32 v49, v3;
	vm6 =	vgt.f32 v49, v2  }
0x66: {  	v51 =	vld [tilespmem:s28+$0x5300];
	v6 =	vsel vm4, v1, v6;
	v8 =	vsel vm4, v7, v8;
	v1 =	vsel vm4, v48, v1  }
0x67: {  	v3 =	vsel vm5, v49, v3;
	v7 =	vsel vm4, $0xD, v7;
	v11 =	vsel vm5, $0x2D, v11  }
0x68: {  	v48 =	vimm.s32 $0x0;
	v3 =	vsel vm6, v2, v3;
	v11 =	vsel vm6, v5, v11  }
0x69: {  	v52 =	vld [tilespmem:s28+$0x1380];
	v2 =	vsel vm6, v49, v2;
	vm7 =	vgt.f32 v50, v6;
	vm8 =	vgt.f32 v50, v1  }
0x6a: {  	v5 =	vsel vm6, $0x2D, v5;
	v6 =	vsel vm7, v50, v6;
	v8 =	vsel vm7, $0xE, v8  }
0x6b: {  	vm9 =	vgt.f32 v51, v3;
	vm10 =	vgt.f32 v51, v2;
	v6 =	vsel vm8, v1, v6  }
0x6c: {  	v53 =	vld [tilespmem:s28+$0x5380];
	v8 =	vsel vm8, v7, v8;
	v1 =	vsel vm8, v50, v1;
	v7 =	vsel vm8, $0xE, v7  }
0x6d: {  	v3 =	vsel vm9, v51, v3;
	v11 =	vsel vm9, $0x2E, v11;
	v50 =	vimm.s32 $0x0  }
0x6e: {  	v3 =	vsel vm10, v2, v3;
	v11 =	vsel vm10, v5, v11;
	vm11 =	vgt.f32 v52, v6  }
0x6f: {  	v2 =	vsel vm10, v51, v2;
	vm12 =	vgt.f32 v52, v1;
	v5 =	vsel vm10, $0x2E, v5  }
0x70: {  	v54 =	vld [tilespmem:s28+$0x2000];
	v51 =	vimm.s32 $0x0;
	v6 =	vsel vm11, v52, v6;
	v8 =	vsel vm11, $0xF, v8  }
0x71: {  	v55 =	vld [tilespmem:s28+$0x6000];
	vm13 =	vgt.f32 v53, v3;
	vm14 =	vgt.f32 v53, v2;
	v6 =	vsel vm12, v1, v6  }
0x72: {  	v8 =	vsel vm12, v7, v8;
	v1 =	vsel vm12, v52, v1;
	v3 =	vsel vm13, v53, v3  }
0x73: {  	v11 =	vsel vm13, $0x2F, v11;
	v7 =	vsel vm12, $0xF, v7;
	v3 =	vsel vm14, v2, v3  }
0x74: {  	v11 =	vsel vm14, v5, v11;
	v2 =	vsel vm14, v53, v2;
	v5 =	vsel vm14, $0x2F, v5  }
0x75: {  	v56 =	vld [tilespmem:s28+$0x2080];
	vm15 =	vgt.f32 v54, v6;
	vm4 =	vgt.f32 v54, v1;
	v53 =	vimm.s32 $0x0  }
0x76: {  	v6 =	vsel vm15, v54, v6;
	v8 =	vsel vm15, $0x10, v8;
	vm5 =	vgt.f32 v55, v3  }
0x77: {  	v57 =	vld [tilespmem:s28+$0x6080];
	vm6 =	vgt.f32 v55, v2;
	v6 =	vsel vm4, v1, v6;
	v8 =	vsel vm4, v7, v8  }
0x78: {  	v1 =	vsel vm4, v54, v1;
	v3 =	vsel vm5, v55, v3;
	v11 =	vsel vm5, $0x30, v11  }
0x79: {  	v7 =	vsel vm4, $0x10, v7;
	v3 =	vsel vm6, v2, v3;
	v11 =	vsel vm6, v5, v11  }
0x7a: {  	v58 =	vld [tilespmem:s28+$0x2100];
	v2 =	vsel vm6, v55, v2;
	vm7 =	vgt.f32 v56, v6;
	vm8 =	vgt.f32 v56, v1  }
0x7b: {  	v5 =	vsel vm6, $0x30, v5;
	v55 =	vimm.s32 $0x0;
	v6 =	vsel vm7, v56, v6  }
0x7c: {  	v8 =	vsel vm7, $0x11, v8;
	vm9 =	vgt.f32 v57, v3;
	vm10 =	vgt.f32 v57, v2  }
0x7d: {  	v59 =	vld [tilespmem:s28+$0x6100];
	v6 =	vsel vm8, v1, v6;
	v8 =	vsel vm8, v7, v8;
	v1 =	vsel vm8, v56, v1  }
0x7e: {  	v7 =	vsel vm8, $0x11, v7;
	v3 =	vsel vm9, v57, v3;
	v11 =	vsel vm9, $0x31, v11  }
0x7f: {  	v3 =	vsel vm10, v2, v3;
	v11 =	vsel vm10, v5, v11;
	vm11 =	vgt.f32 v58, v6  }
0x80: {  	v2 =	vsel vm10, v57, v2;
	vm12 =	vgt.f32 v58, v1;
	v5 =	vsel vm10, $0x31, v5  }
0x81: {  	v60 =	vld [tilespmem:s28+$0x2180];
	v57 =	vimm.s32 $0x0;
	v6 =	vsel vm11, v58, v6;
	v8 =	vsel vm11, $0x12, v8  }
0x82: {  	v61 =	vld [tilespmem:s28+$0x6180];
	vm13 =	vgt.f32 v59, v3;
	vm14 =	vgt.f32 v59, v2;
	v6 =	vsel vm12, v1, v6  }
0x83: {  	v8 =	vsel vm12, v7, v8;
	v1 =	vsel vm12, v58, v1;
	v3 =	vsel vm13, v59, v3  }
0x84: {  	v11 =	vsel vm13, $0x32, v11;
	v7 =	vsel vm12, $0x12, v7;
	v3 =	vsel vm14, v2, v3  }
0x85: {  	v62 =	vld [tilespmem:s28+$0x2200];
	v11 =	vsel vm14, v5, v11;
	v2 =	vsel vm14, v59, v2;
	v5 =	vsel vm14, $0x32, v5  }
0x86: {  	vm15 =	vgt.f32 v60, v6;
	vm4 =	vgt.f32 v60, v1;
	v59 =	vimm.s32 $0x0  }
0x87: {  	v12 =	vld [tilespmem:s28+$0x6200];
	v6 =	vsel vm15, v60, v6;
	v8 =	vsel vm15, $0x13, v8;
	vm5 =	vgt.f32 v61, v3  }
0x88: {  	v9 =	vsel vm4, v60, v1;
	vm6 =	vgt.f32 v61, v2;
	v6 =	vsel vm4, v1, v6  }
0x89: {  	v8 =	vsel vm4, v7, v8;
	v1 =	vsel vm5, v61, v3;
	v7 =	vsel vm4, $0x13, v7  }
0x8a: {  	v63 =	vld [tilespmem:s28+$0x6280];
	v14 =	vsel vm6, v61, v2;
	vm8 =	vgt.f32 v62, v9;
	v61 =	vimm.s32 $0x0  }
0x8b: {  	v13 =	vsel vm6, v2, v1;
	v1 =	vsel vm5, $0x33, v11;
	vm7 =	vgt.f32 v62, v6  }
0x8c: {  	v15 =	vld [tilespmem:s28+$0x2280];
	vm10 =	vgt.f32 v12, v14;
	v11 =	vsel vm6, v5, v1;
	v1 =	vsel vm6, $0x33, v5  }
0x8d: {  	v2 =	vsel vm7, v62, v6;
	vm9 =	vgt.f32 v12, v13;
	v20 =	vsel vm10, v12, v14  }
0x8e: {  	v6 =	vsel vm8, v9, v2;
	v2 =	vsel vm7, $0x14, v8;
	v16 =	vsel vm9, v12, v13  }
0x8f: {  	v22 =	vld [tilespmem:s28+$0x6300];
	v9 =	vsel vm8, v62, v9;
	v4 =	vsel vm9, $0x34, v11;
	vm6 =	vgt.f32 v63, v20  }
0x90: {  	v62 =	vimm.s32 $0x0;
	v3 =	vsel vm8, v7, v2;
	v2 =	vsel vm8, $0x14, v7  }
0x91: {  	v17 =	vld [tilespmem:s28+$0x2300];
	v7 =	vsel vm10, $0xFFFFFFFF, v18;
	v19 =	vsel vm10, v14, v16;
	vm11 =	vgt.f32 v15, v6  }
0x92: {  	vm15 =	vgt.f32 v15, v9;
	v13 =	vsel vm6, $0xFFFFFFFF, v25;
	v5 =	vsel vm6, v63, v20  }
0x93: {  	v25 =	vimm.s32 $0x0;
	v11 =	vsel vm11, $0xFFFFFFFF, v21;
	vm14 =	vgt.f32 v63, v19  }
0x94: {  	v6 =	vsel vm11, v15, v6;
	vm10 =	vgt.f32 v22, v5;
	v12 =	vsel vm14, $0xFFFFFFFF, v23  }
0x95: {  	[tilespmem:$0x1FDE0] =	vst v7;
	v6 =	vsel vm15, v9, v6;
	v7 =	vsel vm14, v63, v19;
	v9 =	vsel vm15, v15, v9  }
0x96: {  	v24 =	vld [tilespmem:s28+$0x2380];
	v19 =	vimm.s32 $0x0;
	v7 =	vsel vm6, v20, v7;
	vm7 =	vgt.f32 v17, v6  }
0x97: {  	[tilespmem:$0x1FE10] =	vst v13;
	vm8 =	vgt.f32 v17, v9;
	v20 =	vimm.s32 $0x0;
	v13 =	vsel vm7, $0xFFFFFFFF, v26  }
0x98: {  	v27 =	vld [tilespmem:s28+$0x6380];
	v10 =	vsel vm8, $0xFFFFFFFF, v28;
	v6 =	vsel vm7, v17, v6;
	v8 =	vsel vm8, v17, v9  }
0x99: {  	vm9 =	vgt.f32 v22, v7;
	v17 =	vimm.s32 $0x0;
	v6 =	vsel vm8, v9, v6  }
0x9a: {  	[tilespmem:$0x1FE40] =	vst v10;
	v9 =	vsel vm9, $0xFFFFFFFF, v29;
	v10 =	vsel vm10, $0xFFFFFFFF, v31;
	v7 =	vsel vm9, v22, v7  }
0x9b: {  	vm12 =	vgt.f32 v24, v8;
	vm11 =	vgt.f32 v24, v6;
	v7 =	vsel vm10, v5, v7  }
0x9c: {  	v30 =	vld [tilespmem:s28+$0x3000];
	[tilespmem:$0x1FDF0] =	vst v11;
	v5 =	vsel vm10, v22, v5;
	v11 =	vsel vm12, $0xFFFFFFFF, v34;
	v22 =	vimm.s32 $0x0  }
0x9d: {  	v33 =	vld [tilespmem:s28+$0x7000];
	[tilespmem:$0x1FE50] =	vst v10;
	v10 =	vsel vm11, $0xFFFFFFFF, v32;
	v6 =	vsel vm11, v24, v6;
	vm13 =	vgt.f32 v27, v7  }
0x9e: {  	[tilespmem:$0x1FE80] =	vst v11;
	vm1 =	vgt.f32 v27, v5;
	v6 =	vsel vm12, v8, v6;
	v11 =	vsel vm13, $0xFFFFFFFF, v35  }
0x9f: {  	[tilespmem:$0x1FE00] =	vst v12;
	v8 =	vsel vm12, v24, v8;
	v12 =	vsel vm1, $0xFFFFFFFF, v37;
	v7 =	vsel vm13, v27, v7  }
0xa0: {  	v36 =	vld [tilespmem:s28+$0x3080];
	v24 =	vimm.s32 $0x0;
	v7 =	vsel vm1, v5, v7;
	v5 =	vsel vm1, v27, v5  }
0xa1: {  	[tilespmem:$0x1FE20] =	vst v13;
	vm14 =	vgt.f32 v30, v6;
	vm4 =	vgt.f32 v30, v8;
	v27 =	vimm.s32 $0x0  }
0xa2: {  	v39 =	vld [tilespmem:s28+$0x7080];
	[tilespmem:$0x1FE90] =	vst v12;
	v12 =	vsel vm14, $0xFFFFFFFF, v38;
	v13 =	vsel vm4, $0xFFFFFFFF, v40;
	vm5 =	vgt.f32 v33, v7  }
0xa3: {  	v6 =	vsel vm14, v30, v6;
	vm6 =	vgt.f32 v33, v5;
	[tilespmem:$0x1FEC0] =	vst v13;
	v13 =	vsel vm5, $0xFFFFFFFF, v41  }
0xa4: {  	v42 =	vld [tilespmem:s28+$0x3100];
	v6 =	vsel vm4, v8, v6;
	v7 =	vsel vm5, v33, v7;
	v8 =	vsel vm4, v30, v8  }
0xa5: {  	[tilespmem:$0x1FE30] =	vst v9;
	v9 =	vsel vm6, $0xFFFFFFFF, v43;
	v7 =	vsel vm6, v5, v7;
	vm7 =	vgt.f32 v36, v6  }
0xa6: {  	v44 =	vld [tilespmem:s28+$0x7100];
	v5 =	vsel vm6, v33, v5;
	vm8 =	vgt.f32 v36, v8;
	v14 =	vsel vm7, $0xFFFFFFFF, v45  }
0xa7: {  	[tilespmem:$0x1FE60] =	vst v10;
	v6 =	vsel vm7, v36, v6;
	v10 =	vsel vm8, $0xFFFFFFFF, v46;
	vm9 =	vgt.f32 v39, v7  }
0xa8: {  	vm14 =	vgt.f32 v39, v5;
	v6 =	vsel vm8, v8, v6;
	v8 =	vsel vm8, v36, v8  }
0xa9: {  	v47 =	vld [tilespmem:s28+$0x3180];
	[tilespmem:$0x1FE70] =	vst v11;
	v11 =	vsel vm9, $0xFFFFFFFF, v48;
	v7 =	vsel vm9, v39, v7;
	vm10 =	vgt.f32 v42, v6  }
0xaa: {  	v7 =	vsel vm14, v5, v7;
	vm11 =	vgt.f32 v42, v8;
	v5 =	vsel vm14, v39, v5  }
0xab: {  	v49 =	vld [tilespmem:s28+$0x7180];
	[tilespmem:$0x1FEE0] =	vst v14;
	v14 =	vsel vm10, $0xFFFFFFFF, v50;
	v6 =	vsel vm10, v42, v6;
	vm12 =	vgt.f32 v44, v7  }
0xac: {  	[tilespmem:$0x1FF10] =	vst v14;
	v14 =	vsel vm11, $0xFFFFFFFF, v51;
	v6 =	vsel vm11, v8, v6;
	v8 =	vsel vm11, v42, v8  }
0xad: {  	v52 =	vld [tilespmem:s28+$0x3200];
	v7 =	vsel vm12, v44, v7;
	[tilespmem:$0x1FF30] =	vst v14;
	v14 =	vsel vm12, $0xFFFFFFFF, v53;
	vm12 =	vgt.f32 v44, v5  }
0xae: {  	vm13 =	vgt.f32 v47, v6;
	v7 =	vsel vm12, v5, v7;
	v5 =	vsel vm12, v44, v5  }
0xaf: {  	v54 =	vld [tilespmem:s28+$0x7200];
	[tilespmem:$0x1FEB0] =	vst v13;
	v13 =	vsel vm13, $0xFFFFFFFF, v55;
	v6 =	vsel vm13, v47, v6;
	vm13 =	vgt.f32 v47, v8  }
0xb0: {  	v56 =	vld [tilespmem:s28+$0x3280];
	vm4 =	vgt.f32 v49, v7;
	v6 =	vsel vm13, v8, v6;
	vm10 =	vgt.f32 v49, v5  }
0xb1: {  	[tilespmem:$0x1FF20] =	vst v14;
	v8 =	vsel vm13, v47, v8;
	v14 =	vsel vm4, $0xFFFFFFFF, v57;
	v7 =	vsel vm4, v49, v7  }
0xb2: {  	vm5 =	vgt.f32 v52, v6;
	vm8 =	vgt.f32 v52, v8;
	v7 =	vsel vm10, v5, v7  }
0xb3: {  	v58 =	vld [tilespmem:s28+$0x7280];
	[tilespmem:$0x1FF50] =	vst v14;
	v14 =	vsel vm5, $0xFFFFFFFF, v59;
	v5 =	vsel vm10, v49, v5;
	v6 =	vsel vm5, v52, v6  }
0xb4: {  	v60 =	vld [tilespmem:s28+$0x3300];
	v6 =	vsel vm8, v8, v6;
	vm6 =	vgt.f32 v54, v7;
	vm11 =	vgt.f32 v54, v5  }
0xb5: {  	[tilespmem:$0x1FEA0] =	vst v12;
	v12 =	vsel vm6, $0xFFFFFFFF, v61;
	v7 =	vsel vm6, v54, v7;
	vm7 =	vgt.f32 v56, v6  }
0xb6: {  	v8 =	vsel vm8, v52, v8;
	[tilespmem:$0x1FF70] =	vst v12;
	v12 =	vsel vm7, $0xFFFFFFFF, v62;
	v7 =	vsel vm11, v5, v7  }
0xb7: {  	v63 =	vld [tilespmem:s28+$0x7300];
	v6 =	vsel vm7, v56, v6;
	vm7 =	vgt.f32 v56, v8;
	v5 =	vsel vm11, v54, v5  }
0xb8: {  	v16 =	vld [tilespmem:s28+$0x3380];
	v6 =	vsel vm7, v8, v6;
	vm9 =	vgt.f32 v58, v7;
	v8 =	vsel vm7, v56, v8  }
0xb9: {  	[tilespmem:$0x1FF60] =	vst v14;
	v14 =	vsel vm9, $0xFFFFFFFF, v17;
	v7 =	vsel vm9, v58, v7;
	vm4 =	vgt.f32 v60, v6  }
0xba: {  	[tilespmem:$0x1FF90] =	vst v14;
	v14 =	vsel vm4, $0xFFFFFFFF, v19;
	v6 =	vsel vm4, v60, v6;
	vm4 =	vgt.f32 v58, v5  }
0xbb: {  	v18 =	vld [tilespmem:s28+$0x7380];
	vm9 =	vgt.f32 v60, v8;
	v7 =	vsel vm4, v5, v7;
	v5 =	vsel vm4, v58, v5  }
0xbc: {  	v6 =	vsel vm9, v8, v6;
	v8 =	vsel vm9, v60, v8;
	vm5 =	vgt.f32 v63, v7  }
0xbd: {  	[tilespmem:$0x1FF00] =	vst v10;
	vm6 =	vgt.f32 v63, v5;
	vm2 =	vgt.f32 v16, v8;
	v10 =	vsel vm5, $0xFFFFFFFF, v20  }
0xbe: {  	v26 =	vld [tilespmem:$0x1FDE0];
	v7 =	vsel vm5, v63, v7;
	v21 =	vsel vm6, v63, v5;
	vm5 =	vgt.f32 v16, v6  }
0xbf: {  	[tilespmem:$0x1FEF0] =	vst v11;
	v11 =	vsel vm5, $0xFFFFFFFF, v22;
	v6 =	vsel vm5, v16, v6;
	v5 =	vsel vm6, v5, v7  }
0xc0: {  	v28 =	vld [tilespmem:$0x1FDF0];
	vm5 =	vgt.f32 v18, v21;
	v6 =	vsel vm2, v8, v6;
	vm1 =	vgt.f32 v18, v5  }
0xc1: {  	[tilespmem:$0x1FED0] =	vst v9;
	v23 =	vsel vm5, v18, v21;
	v8 =	vsel vm2, v16, v8;
	v9 =	vsel vm1, $0xFFFFFFFF, v24  }
0xc2: {  	v29 =	vld [tilespmem:$0x1FE00];
	vm0 =	vgt.f32 v23, v6;
	v5 =	vsel vm1, v18, v5;
	vm3 =	vgt.f32 v23, v8  }
0xc3: {  	v31 =	vld [tilespmem:$0x1FE20];
	[tilespmem:$0x1FFD0] =	vst v9;
	v9 =	vsel vm0, $0xFFFFFFFF, v25;
	v6 =	vsel vm0, v23, v6;
	vm0 =	vnez.u8 v26  }
0xc4: {  	v30 =	vld [tilespmem:$0x1FE10];
	v5 =	vsel vm5, v21, v5;
	v7 =	vsel vm3, v23, v8;
	v4 =	vsel vm0, v1, v4  }
0xc5: {  	v32 =	vld [tilespmem:$0x1FE30];
	v6 =	vsel vm3, v8, v6;
	v1 =	vsel vm0, $0x34, v1;
	vm0 =	vnez.u8 v28  }
0xc6: {  	v34 =	vld [tilespmem:$0x1FE50];
	vm1 =	vgt.f32 v5, v6;
	v3 =	vsel vm0, $0x15, v3;
	vm0 =	vgt.f32 v5, v7  }
0xc7: {  	v33 =	vld [tilespmem:$0x1FE40];
	v8 =	vsel vm1, $0xFFFFFFFF, v27;
	v6 =	vsel vm1, v5, v6;
	v5 =	vsel vm0, v5, v7  }
0xc8: {  	v37 =	vld [tilespmem:$0x1FE80];
	v3 =	vsel vm15, v2, v3;
	vm1 =	vnez.u8 v29;
	v6 =	vsel vm0, v7, v6  }
0xc9: {  	v35 =	vld [tilespmem:$0x1FE60];
	v4 =	vsel vm1, $0x35, v4;
	vm1 =	vnez.u8 v30;
	v5 =	vsub.f32 v6, v5  }
0xca: {  	v38 =	vld [tilespmem:$0x1FE90];
	v4 =	vsel vm1, v1, v4;
	v1 =	vsel vm1, $0x35, v1;
	vm1 =	vnez.u8 v31  }
0xcb: {  	v36 =	vld [tilespmem:$0x1FE70];
	v2 =	vsel vm15, $0x15, v2;
	v3 =	vsel vm1, $0x16, v3;
	vm1 =	vnez.u8 v32  }
0xcc: {  	v41 =	vld [tilespmem:$0x1FEC0];
	v4 =	vsel vm1, $0x36, v4;
	vm1 =	vnez.u8 v33;
	v5 =	vmul.f32 $1.442695020e+00, v5  }
0xcd: {  	v40 =	vld [tilespmem:$0x1FEB0];
	v3 =	vsel vm1, v2, v3;
	v2 =	vsel vm1, $0x16, v2;
	vm1 =	vnez.u8 v34  }
0xce: {  	v39 =	vld [tilespmem:$0x1FEA0];
	v4 =	vsel vm1, v1, v4  }
0xcf: {  	v43 =	vld [tilespmem:$0x1FEE0];
	v1 =	vsel vm1, $0x36, v1;
	vm1 =	vnez.u8 v35;
	(erf) = vpow2.f32 v5  }
0xd0: {  	v45 =	vld [tilespmem:$0x1FF00];
	v3 =	vsel vm1, $0x17, v3;
	vm1 =	vnez.u8 v36  }
0xd1: {  	v42 =	vld [tilespmem:$0x1FED0];
	v4 =	vsel vm1, $0x37, v4;
	vm1 =	vnez.u8 v37  }
0xd2: {  	v44 =	vld [tilespmem:$0x1FEF0];
	v3 =	vsel vm1, v2, v3;
	v2 =	vsel vm1, $0x17, v2;
	vm1 =	vnez.u8 v38  }
0xd3: {  	v48 =	vld [tilespmem:$0x1FF30];
	v4 =	vsel vm1, v1, v4;
	v1 =	vsel vm1, $0x37, v1;
	vm1 =	vnez.u8 v39  }
0xd4: {  	v46 =	vld [tilespmem:$0x1FF10];
	v3 =	vsel vm1, $0x18, v3;
	vm1 =	vnez.u8 v40  }
0xd5: {  	v47 =	vld [tilespmem:$0x1FF20];
	v4 =	vsel vm1, $0x38, v4;
	vm1 =	vnez.u8 v41  }
0xd6: {  	[tilespmem:$0x1FF40] =	vst v13;
	v53 =	vld [tilespmem:$0x1FF70];
	v3 =	vsel vm1, v2, v3;
	v2 =	vsel vm1, $0x18, v2;
	vm1 =	vnez.u8 v42  }
0xd7: {  	v49 =	vld [tilespmem:$0x1FF40];
	v4 =	vsel vm1, v1, v4;
	v1 =	vsel vm1, $0x38, v1;
	vm1 =	vnez.u8 v43  }
0xd8: {  	v50 =	vld [tilespmem:$0x1FF50];
	[tilespmem:$0x1FF80] =	vst v12;
	vm15 =	vnez.u8 v48;
	v3 =	vsel vm1, $0x19, v3;
	vm1 =	vnez.u8 v44;
	v51 =	vpop (erf)  }
0xd9: {  	v54 =	vld [tilespmem:$0x1FF80];
	v4 =	vsel vm1, $0x39, v4;
	vm1 =	vnez.u8 v45;
	v5 =	vadd.f32 $1.000000000e+00, v51  }
0xda: {  	v52 =	vld [tilespmem:$0x1FF60];
	[tilespmem:$0x1FFC0] =	vst v11;
	v3 =	vsel vm1, v2, v3;
	v2 =	vsel vm1, $0x19, v2;
	v4 =	vsel vm14, v1, v4  }
0xdb: {  	v58 =	vld [tilespmem:$0x1FFC0];
	v1 =	vsel vm14, $0x39, v1;
	vm1 =	vnez.u8 v46;
	vm14 =	vnez.u8 v53  }
0xdc: {  	[tilespmem:$0x1FFA0] =	vst v14;
	v55 =	vld [tilespmem:$0x1FF90];
	v3 =	vsel vm1, $0x1A, v3;
	vm1 =	vnez.u8 v47;
	(erf) = vrcp.f32 v5  }
0xdd: {  	v56 =	vld [tilespmem:$0x1FFA0];
	v4 =	vsel vm1, $0x3A, v4;
	v3 =	vsel vm15, v2, v3;
	v2 =	vsel vm15, $0x1A, v2  }
0xde: {  	[tilespmem:$0x1FFE0] =	vst v9;
	v61 =	vld [tilespmem:$0x1FFD0];
	vm1 =	vnez.u8 v49;
	vm15 =	vnez.u8 v54;
	v4 =	vsel vm12, v1, v4  }
0xdf: {  	v62 =	vld [tilespmem:$0x1FFE0];
	v1 =	vsel vm12, $0x3A, v1;
	v3 =	vsel vm1, $0x1B, v3;
	vm1 =	vnez.u8 v50  }
0xe0: {  	[tilespmem:$0x1FFB0] =	vst v10;
	vm12 =	vnez.u8 v58;
	v4 =	vsel vm1, $0x3B, v4;
	v3 =	vsel vm13, v2, v3  }
0xe1: {  	v57 =	vld [tilespmem:$0x1FFB0];
	v2 =	vsel vm13, $0x1B, v2;
	vm13 =	vnez.u8 v52;
	vm1 =	vnez.u8 v55  }
0xe2: {  	v4 =	vsel vm10, v1, v4;
	v1 =	vsel vm10, $0x3B, v1;
	v3 =	vsel vm13, $0x1C, v3  }
0xe3: {  	vm10 =	vnez.u8 v56;
	vm13 =	vnez.u8 v61;
	v3 =	vsel vm8, v2, v3  }
0xe4: {  	v2 =	vsel vm8, $0x1C, v2;
	v4 =	vsel vm14, $0x3C, v4;
	vm14 =	vnez.u8 v62  }
0xe5: {  	v3 =	vsel vm15, $0x1D, v3;
	v4 =	vsel vm11, v1, v4;
	v1 =	vsel vm11, $0x3C, v1  }
0xe6: {  	[tilespmem:$0x1FFF0] =	vst v8;
	vm11 =	vnez.u8 v57;
	v4 =	vsel vm1, $0x3D, v4;
	v3 =	vsel vm7, v2, v3  }
0xe7: {  	v63 =	vld [tilespmem:$0x1FFF0];
	v2 =	vsel vm7, $0x1D, v2;
	v3 =	vsel vm10, $0x1E, v3;
	v4 =	vsel vm4, v1, v4  }
0xe8: {  	v1 =	vsel vm4, $0x3D, v1;
	v3 =	vsel vm9, v2, v3;
	v2 =	vsel vm9, $0x1E, v2  }
0xe9: {  	v4 =	vsel vm11, $0x3E, v4;
	v59 =	vsel vm6, $0x3E, v1;
	v3 =	vsel vm12, $0x1F, v3  }
0xea: {  	v1 =	vsel vm6, v1, v4;
	v60 =	vsel vm5, $0x3F, v59;
	v3 =	vsel vm2, v2, v3  }
0xeb: {  	v2 =	vsel vm2, $0x1F, v2;
	v1 =	vsel vm13, $0x3F, v1;
	v3 =	vsel vm14, v60, v3  }
0xec: {  	vm15 =	vnez.u8 v63;
	v1 =	vsel vm5, v59, v1;
	v3 =	vsel vm3, v2, v3  }
0xed: {  	v3 =	vsel vm15, v1, v3  }
0xee: {  	p0 =	sne.s32 s26, $0x1F0;
	v2 =	vsel vm3, v60, v2  }
.Ltmp0:
0xef: {  	v1 =	vsel vm0, v1, v2;
	(pc) =	sbr.rel @p0 .LBB2_2-.Ltmp0, $4  }
0xf0: {  	v2 =	vsel vm0, v2, v3;
	[tilespmem:s24+$0x0] =	vst v1;
	v3 =	vpop (erf)  }
0xf1: {  	[tilespmem:s23+$0x0] =	vst v2;
	v1 =	vsub.f32 $1.000000000e+00, v3  }
0xf2: {  	s25 =	sadd.s32 $0x80, s25;
	s26 =	sadd.s32 $0x10, s26;
	s24 =	sadd.s32 $0x10, s24;
	[tilespmem:s22+$0x0] =	vst v3  }
0xf3: {  	s23 =	sadd.s32 $0x10, s23;
	s22 =	sadd.s32 $0x10, s22;
	[tilespmem:s21+$0x0] =	vst v1;
	s21 =	sadd.s32 $0x10, s21  }
0xf4: {  	[hbm4b:s4+s10] =	stream.strided.scatter [tilespmem:s12], [sflag:$0x1], $0x200, s11, s10, $0x38;
	[tilespmem:$0x8800] =	vst v63  }
0xf5: {  	_ = 	snop  }
0xf6: {  	[hbm4b:s5+s10] =	stream.strided.scatter [tilespmem:s13], [sflag:$0x2], $0x200, s11, s10, $0x38;
	[tilespmem:$0x8800] =	vst v63  }
0xf7: {  	_ = 	snop  }
0xf8: {  	[hbm4b:s6+s10] =	stream.strided.scatter [tilespmem:s14], [sflag:$0x3], $0x200, s11, s10, $0x38;
	[tilespmem:$0x8800] =	vst v63  }
0xf9: {  	_ = 	snop  }
0xfa: {  	[hbm4b:s7+s10] =	stream.strided.scatter [tilespmem:s15], [sflag:$0x4], $0x200, s11, s10, $0x38;
	[tilespmem:$0x8800] =	vst v63  }
0xfb: {  	_ =	swait.ge [sflag:s16], $0x200  }
0xfc: {  	[sflag:s16] =	ssyncset.done $0x0  }
0xfd: {  	[sflag:s16] =	ssyncadd.s32 $0xFFFFFE00  }
0xfe: {  	_ =	swait.ge [sflag:s17], $0x200  }
0xff: {  	[sflag:s17] =	ssyncset.done $0x0  }
0x100: {  	s20 =	sadd.s32 $0x1, s20;
	[sflag:s17] =	ssyncadd.s32 $0xFFFFFE00  }
0x101: {  	p0 =	sne.s32 s20, s8;
	_ =	swait.ge [sflag:s18], $0x200  }
.Ltmp1:
0x102: {  	[sflag:s18] =	ssyncset.done $0x0;
	(pc) =	sbr.rel @p0 .LBB2_1-.Ltmp1, $4  }
0x103: {  	[sflag:s18] =	ssyncadd.s32 $0xFFFFFE00  }
0x104: {  	_ =	swait.ge [sflag:s19], $0x200  }
0x105: {  	[sflag:s19] =	ssyncset.done $0x0  }
0x106: {  	[sflag:s19] =	ssyncadd.s32 $0xFFFFFE00  }
0x107: {  	_ =	sfence.sel $0x180000  }
0x108: {  	[bflag:$0x0] =	sbarrier.arrive $0xFFFF  }
0x109: {  	p0 =	sne.s32 s1, $0x0;
	_ =	strace $0x90000047  }
0x10a: {  	s0 =	sadd.s32 @!p0 $0x100000, s0;
	[bflag:$0x2] =	sbarrier.arrive $0xFFFF  }
0x10b: {  	[sflag:s0] =	ssyncadd.tile.s32 @!p0 $0x1;
	_ =	shalt  }
.Lfunc_end2:
_tile_overlayer_lowered:
.L_overlay_start_2:
0x10c: {  	(tag) =	ssettag $0x2  }
0x10d: {  	s0 =	rddreg [dreg:$0x0];
	s2 =	stileid.u32  }
0x10e: {  	s1 =	rddreg [dreg:$0x1];
	p0 =	sne.s32 s2, $0x0  }
0x10f: {  	s3 =	rddreg [dreg:$0x2];
	[bflag:$0x3] =	sbarrier.arrive $0xFFFF;
	s2 =	simm.s32 @!p0 $0x1C05  }
0x110: {  	[timem:s3], [sflag:s2] =	dma.local @!p0 [hbm:s0], s1  }
0x111: {  	s0 =	simm.s32 @!p0 $0x5  }
0x112: {  	_ =	swait.ge @!p0 [sflag:s0], s1  }
0x113: {  	s1 =	ssub.s32 @!p0 $0x0, s1;
	[sflag:s0] =	ssyncset.done @!p0 $0x0  }
0x114: {  	[sflag:s0] =	ssyncadd.s32 @!p0 s1  }
0x115: {  	[bflag:$0x3] =	sbarrier.arrive $0xFFFF  }
0x116: {  	_ =	shalt  }

</sc_bundles>
